<compile_context>
chip_gen: v7x
topology: tpu7x:2x2x1
jax: 0.10.2.dev20260603
libtpu: 0.0.44.dev20260713+nightly
codegen_flags: <defaults>
</compile_context>

<pallas_src>
import functools
import jax
import jax.numpy as jnp
from jax import lax
from jax.experimental import pallas as pl
from jax.experimental.pallas import tpu as pltpu
from jax.experimental.pallas import tpu_sc as plsc

NV = 32
CH = 8
L = 16
NW = 32
BW = 512
NCHUNK = BW // L


def _sc_body(x_hbm, o_hbm, idxv, obuf):
    wid = lax.axis_index("s") * 2 + lax.axis_index("c")
    base = wid * BW
    def _step(t, carry):
        pltpu.sync_copy(x_hbm.at[t, CH - 1, pl.ds(base, BW)], idxv)

        def _row(v, cc):
            for c in range(NCHUNK):
                iv = idxv[pl.ds(c * L, L)].astype(jnp.int32)
                obuf[v, pl.ds(c * L, L)] = jnp.where(iv == v, 1.0, 0.0)
            return cc

        lax.fori_loop(0, NV, _row, 0)
        pltpu.sync_copy(obuf, o_hbm.at[t, :, pl.ds(base, BW)])
        return carry

    lax.fori_loop(0, 200, _step, 0)


def kernel(network):
    B, T, C = network.shape
    xp = jnp.transpose(network, (1, 2, 0))
    mesh = plsc.VectorSubcoreMesh(core_axis_name="c", subcore_axis_name="s")
    k = functools.partial(
        pl.kernel,
        mesh=mesh,
        out_type=jax.ShapeDtypeStruct((T, NV, B), jnp.float32),
        compiler_params=pltpu.CompilerParams(use_tc_tiling_on_sc=False),
        scratch_types=[
            pltpu.VMEM((BW,), jnp.float32),
            pltpu.VMEM((NV, BW), jnp.float32),
        ],
    )(_sc_body)
    out = k(xp)
    return jnp.transpose(out, (2, 0, 1))

# --- scband reference (transcript-rebuilt; emitter-appended) ---
"""Pipeline reference for scband-last-channel-one-hot-19765439496364 (READ-ONLY COPY).

The authoritative reference and input builder live on the scoring server;
editing this copy changes nothing except your own understanding.
"""

import jax, jax.numpy as jnp
import numpy as np

NUM_VALUES = 32

def setup_inputs(seed: int = 0) -> dict:
    key = jax.random.key(seed)
    # categorical values in [0, NUM_VALUES) encoded as floats, as the layer expects
    network = jax.random.randint(key, (16384, 200, 8), 0, NUM_VALUES).astype(jnp.float32)
    return {"network": network}

def reference(network):
    # Faithful translation of LastChannelOneHot.call:
    #   network = network[..., -1]
    #   network = cast to int32
    #   network = one_hot(network, depth=num_values, on=1.0, off=0.0, float32)
    idx = network[..., -1].astype(jnp.int32)
    out = jax.nn.one_hot(idx, NUM_VALUES, dtype=jnp.float32)
    return out

if __name__ == "__main__":
    import jax
    _d = setup_inputs()
    print(jax.jit(kernel)(*tuple(_d.values())))

</pallas_src>

<mosaic_0001>
#map = affine_map<(d0, d1) -> (0, 0, 0)>
module attributes {stable_mosaic.version = 14 : i64} {
  func.func @_sc_body(%arg0: i32, %arg1: i32, %arg2: memref<200x8x16384xf32, #tpu.memory_space<hbm>>, %arg3: memref<200x32x16384xf32, #tpu.memory_space<hbm>>, %arg4: memref<512xf32, #tpu.memory_space<vmem>>, %arg5: memref<32x512xf32, #tpu.memory_space<vmem>>) attributes {dimension_semantics = [#tpu.dimension_semantics<core_parallel>, #tpu.dimension_semantics<subcore_parallel>], iteration_bounds = array<i64: 2, 16>, scalar_prefetch = 0 : i64, scratch_operands = 2 : i64, tpu.core_type = #tpu.core_type<sc_vector_subcore>, window_params = [{transform_indices = #map}, {transform_indices = #map}]} {
    %mul3A = arith.constant 2 : i32
    %mul3A_0 = arith.muli %arg1, %mul3A : i32
    %add3A = arith.addi %mul3A_0, %arg0 : i32
    %mul3A_1 = arith.constant 512 : i32
    %mul3A_2 = arith.muli %add3A, %mul3A_1 : i32
    %scan3A = arith.constant 0 : i32
    %scan3A_3 = arith.constant 0 : i32
    %scan3A_4 = arith.constant 200 : i32
    %scan3A_5 = arith.addi %scan3A_3, %scan3A_4 : i32
    %scan3A_6 = arith.constant 1 : i32
    scf.for %scan3A_8 = %scan3A_3 to %scan3A_5 step %scan3A_6  : i32 {
      %run_scoped3A = arith.constant 7 : i32
      "tpu.region"() ({
        %run_scoped3A_15 = tpu.sem_alloc : memref<!tpu.dma_semaphore, #tpu.memory_space<semaphore_mem>>
        %dma_start3A = tpu.memref_slice %arg2[%scan3A_8, %run_scoped3A, %mul3A_2] : memref<200x8x16384xf32, #tpu.memory_space<hbm>> -> memref<1x1x512xf32, #tpu.memory_space<hbm>>
        %dma_start3A_16 = tpu.memref_squeeze %dma_start3A : memref<1x1x512xf32, #tpu.memory_space<hbm>> -> memref<512xf32, #tpu.memory_space<hbm>>
        %dma_start3A_17 = tpu.memref_slice %arg2[%scan3A_8, %run_scoped3A, %mul3A_2] : memref<200x8x16384xf32, #tpu.memory_space<hbm>> -> memref<1x1x512xf32, #tpu.memory_space<hbm>>
        %dma_start3A_18 = tpu.memref_squeeze %dma_start3A_17 : memref<1x1x512xf32, #tpu.memory_space<hbm>> -> memref<512xf32, #tpu.memory_space<hbm>>
        tpu.enqueue_dma source(%dma_start3A_18 : memref<512xf32, #tpu.memory_space<hbm>>) target(%arg4 : memref<512xf32, #tpu.memory_space<vmem>>) target_semaphore(%run_scoped3A_15 : memref<!tpu.dma_semaphore, #tpu.memory_space<semaphore_mem>>)
        %dma_wait3A = tpu.memref_slice %arg2[%scan3A_8, %run_scoped3A, %mul3A_2] : memref<200x8x16384xf32, #tpu.memory_space<hbm>> -> memref<1x1x512xf32, #tpu.memory_space<hbm>>
        %dma_wait3A_19 = tpu.memref_squeeze %dma_wait3A : memref<1x1x512xf32, #tpu.memory_space<hbm>> -> memref<512xf32, #tpu.memory_space<hbm>>
        %dma_wait3A_20 = tpu.memref_slice %arg2[%scan3A_8, %run_scoped3A, %mul3A_2] : memref<200x8x16384xf32, #tpu.memory_space<hbm>> -> memref<1x1x512xf32, #tpu.memory_space<hbm>>
        %dma_wait3A_21 = tpu.memref_squeeze %dma_wait3A_20 : memref<1x1x512xf32, #tpu.memory_space<hbm>> -> memref<512xf32, #tpu.memory_space<hbm>>
        tpu.wait_dma2 semaphore(%run_scoped3A_15 : memref<!tpu.dma_semaphore, #tpu.memory_space<semaphore_mem>>) src(%dma_wait3A_21 : memref<512xf32, #tpu.memory_space<hbm>>) dst(%arg4 : memref<512xf32, #tpu.memory_space<vmem>>)
        tpu.yield
      }) : () -> ()
      %scan3A_9 = arith.constant 0 : i32
      %scan3A_10 = arith.constant 0 : i32
      %scan3A_11 = arith.constant 32 : i32
      %scan3A_12 = arith.addi %scan3A_10, %scan3A_11 : i32
      %scan3A_13 = arith.constant 1 : i32
      scf.for %scan3A_15 = %scan3A_10 to %scan3A_12 step %scan3A_13  : i32 {
        %get3A = arith.constant 0 : index
        %get3A_16 = tpu.vector_load %arg4[%get3A] {strides = array<i32>} : memref<512xf32, #tpu.memory_space<vmem>>, vector<16xf32>,
        %get3A_17 = vector.shape_cast %get3A_16 : vector<16xf32> to vector<16xf32>
        %convert_element_type3A = arith.fptosi %get3A_17 : vector<16xf32> to vector<16xi32>
        %eq3A = vector.broadcast %scan3A_15 : i32 to vector<16xi32>
        %eq3A_18 = arith.cmpi eq, %convert_element_type3A, %eq3A : vector<16xi32>
        %jit3A = arith.constant 1.000000e+00 : f32
        %jit3A_19 = arith.constant 0.000000e+00 : f32
        %broadcast_in_dim3A = vector.broadcast %jit3A : f32 to vector<16xf32>
        %broadcast_in_dim3A_20 = vector.broadcast %jit3A_19 : f32 to vector<16xf32>
        %select_n3A = arith.select %eq3A_18, %broadcast_in_dim3A, %broadcast_in_dim3A_20 : vector<16xi1>, vector<16xf32>
        %swap3A = arith.index_cast %scan3A_15 : i32 to index
        %swap3A_21 = arith.constant 0 : index
        %swap3A_22 = tpu.vector_load %arg5[%swap3A, %swap3A_21] {strides = array<i32>} : memref<32x512xf32, #tpu.memory_space<vmem>>, vector<1x16xf32>,
        %swap3A_23 = vector.shape_cast %swap3A_22 : vector<1x16xf32> to vector<16xf32>
        %swap3A_24 = vector.shape_cast %select_n3A : vector<16xf32> to vector<1x16xf32>
        tpu.vector_store %arg5[%swap3A, %swap3A_21], %swap3A_24 {strides = array<i32>} : memref<32x512xf32, #tpu.memory_space<vmem>>, vector<1x16xf32>,
        %get3A_25 = arith.constant 16 : index
        %get3A_26 = tpu.vector_load %arg4[%get3A_25] {strides = array<i32>} : memref<512xf32, #tpu.memory_space<vmem>>, vector<16xf32>,
        %get3A_27 = vector.shape_cast %get3A_26 : vector<16xf32> to vector<16xf32>
        %convert_element_type3A_28 = arith.fptosi %get3A_27 : vector<16xf32> to vector<16xi32>
        %eq3A_29 = vector.broadcast %scan3A_15 : i32 to vector<16xi32>
        %eq3A_30 = arith.cmpi eq, %convert_element_type3A_28, %eq3A_29 : vector<16xi32>
        %jit3A_31 = arith.constant 1.000000e+00 : f32
        %jit3A_32 = arith.constant 0.000000e+00 : f32
        %broadcast_in_dim3A_33 = vector.broadcast %jit3A_31 : f32 to vector<16xf32>
        %broadcast_in_dim3A_34 = vector.broadcast %jit3A_32 : f32 to vector<16xf32>
        %select_n3A_35 = arith.select %eq3A_30, %broadcast_in_dim3A_33, %broadcast_in_dim3A_34 : vector<16xi1>, vector<16xf32>
        %swap3A_36 = arith.index_cast %scan3A_15 : i32 to index
        %swap3A_37 = arith.constant 16 : index
        %swap3A_38 = tpu.vector_load %arg5[%swap3A_36, %swap3A_37] {strides = array<i32>} : memref<32x512xf32, #tpu.memory_space<vmem>>, vector<1x16xf32>,
        %swap3A_39 = vector.shape_cast %swap3A_38 : vector<1x16xf32> to vector<16xf32>
        %swap3A_40 = vector.shape_cast %select_n3A_35 : vector<16xf32> to vector<1x16xf32>
        tpu.vector_store %arg5[%swap3A_36, %swap3A_37], %swap3A_40 {strides = array<i32>} : memref<32x512xf32, #tpu.memory_space<vmem>>, vector<1x16xf32>,
        %get3A_41 = arith.constant 32 : index
        %get3A_42 = tpu.vector_load %arg4[%get3A_41] {strides = array<i32>} : memref<512xf32, #tpu.memory_space<vmem>>, vector<16xf32>,
        %get3A_43 = vector.shape_cast %get3A_42 : vector<16xf32> to vector<16xf32>
        %convert_element_type3A_44 = arith.fptosi %get3A_43 : vector<16xf32> to vector<16xi32>
        %eq3A_45 = vector.broadcast %scan3A_15 : i32 to vector<16xi32>
        %eq3A_46 = arith.cmpi eq, %convert_element_type3A_44, %eq3A_45 : vector<16xi32>
        %jit3A_47 = arith.constant 1.000000e+00 : f32
        %jit3A_48 = arith.constant 0.000000e+00 : f32
        %broadcast_in_dim3A_49 = vector.broadcast %jit3A_47 : f32 to vector<16xf32>
        %broadcast_in_dim3A_50 = vector.broadcast %jit3A_48 : f32 to vector<16xf32>
        %select_n3A_51 = arith.select %eq3A_46, %broadcast_in_dim3A_49, %broadcast_in_dim3A_50 : vector<16xi1>, vector<16xf32>
        %swap3A_52 = arith.index_cast %scan3A_15 : i32 to index
        %swap3A_53 = arith.constant 32 : index
        %swap3A_54 = tpu.vector_load %arg5[%swap3A_52, %swap3A_53] {strides = array<i32>} : memref<32x512xf32, #tpu.memory_space<vmem>>, vector<1x16xf32>,
        %swap3A_55 = vector.shape_cast %swap3A_54 : vector<1x16xf32> to vector<16xf32>
        %swap3A_56 = vector.shape_cast %select_n3A_51 : vector<16xf32> to vector<1x16xf32>
        tpu.vector_store %arg5[%swap3A_52, %swap3A_53], %swap3A_56 {strides = array<i32>} : memref<32x512xf32, #tpu.memory_space<vmem>>, vector<1x16xf32>,
        %get3A_57 = arith.constant 48 : index
        %get3A_58 = tpu.vector_load %arg4[%get3A_57] {strides = array<i32>} : memref<512xf32, #tpu.memory_space<vmem>>, vector<16xf32>,
        %get3A_59 = vector.shape_cast %get3A_58 : vector<16xf32> to vector<16xf32>
        %convert_element_type3A_60 = arith.fptosi %get3A_59 : vector<16xf32> to vector<16xi32>
        %eq3A_61 = vector.broadcast %scan3A_15 : i32 to vector<16xi32>
        %eq3A_62 = arith.cmpi eq, %convert_element_type3A_60, %eq3A_61 : vector<16xi32>
        %jit3A_63 = arith.constant 1.000000e+00 : f32
        %jit3A_64 = arith.constant 0.000000e+00 : f32
        %broadcast_in_dim3A_65 = vector.broadcast %jit3A_63 : f32 to vector<16xf32>
        %broadcast_in_dim3A_66 = vector.broadcast %jit3A_64 : f32 to vector<16xf32>
        %select_n3A_67 = arith.select %eq3A_62, %broadcast_in_dim3A_65, %broadcast_in_dim3A_66 : vector<16xi1>, vector<16xf32>
        %swap3A_68 = arith.index_cast %scan3A_15 : i32 to index
        %swap3A_69 = arith.constant 48 : index
        %swap3A_70 = tpu.vector_load %arg5[%swap3A_68, %swap3A_69] {strides = array<i32>} : memref<32x512xf32, #tpu.memory_space<vmem>>, vector<1x16xf32>,
        %swap3A_71 = vector.shape_cast %swap3A_70 : vector<1x16xf32> to vector<16xf32>
        %swap3A_72 = vector.shape_cast %select_n3A_67 : vector<16xf32> to vector<1x16xf32>
        tpu.vector_store %arg5[%swap3A_68, %swap3A_69], %swap3A_72 {strides = array<i32>} : memref<32x512xf32, #tpu.memory_space<vmem>>, vector<1x16xf32>,
        %get3A_73 = arith.constant 64 : index
        %get3A_74 = tpu.vector_load %arg4[%get3A_73] {strides = array<i32>} : memref<512xf32, #tpu.memory_space<vmem>>, vector<16xf32>,
        %get3A_75 = vector.shape_cast %get3A_74 : vector<16xf32> to vector<16xf32>
        %convert_element_type3A_76 = arith.fptosi %get3A_75 : vector<16xf32> to vector<16xi32>
        %eq3A_77 = vector.broadcast %scan3A_15 : i32 to vector<16xi32>
        %eq3A_78 = arith.cmpi eq, %convert_element_type3A_76, %eq3A_77 : vector<16xi32>
        %jit3A_79 = arith.constant 1.000000e+00 : f32
        %jit3A_80 = arith.constant 0.000000e+00 : f32
        %broadcast_in_dim3A_81 = vector.broadcast %jit3A_79 : f32 to vector<16xf32>
        %broadcast_in_dim3A_82 = vector.broadcast %jit3A_80 : f32 to vector<16xf32>
        %select_n3A_83 = arith.select %eq3A_78, %broadcast_in_dim3A_81, %broadcast_in_dim3A_82 : vector<16xi1>, vector<16xf32>
        %swap3A_84 = arith.index_cast %scan3A_15 : i32 to index
        %swap3A_85 = arith.constant 64 : index
        %swap3A_86 = tpu.vector_load %arg5[%swap3A_84, %swap3A_85] {strides = array<i32>} : memref<32x512xf32, #tpu.memory_space<vmem>>, vector<1x16xf32>,
        %swap3A_87 = vector.shape_cast %swap3A_86 : vector<1x16xf32> to vector<16xf32>
        %swap3A_88 = vector.shape_cast %select_n3A_83 : vector<16xf32> to vector<1x16xf32>
        tpu.vector_store %arg5[%swap3A_84, %swap3A_85], %swap3A_88 {strides = array<i32>} : memref<32x512xf32, #tpu.memory_space<vmem>>, vector<1x16xf32>,
        %get3A_89 = arith.constant 80 : index
        %get3A_90 = tpu.vector_load %arg4[%get3A_89] {strides = array<i32>} : memref<512xf32, #tpu.memory_space<vmem>>, vector<16xf32>,
        %get3A_91 = vector.shape_cast %get3A_90 : vector<16xf32> to vector<16xf32>
        %convert_element_type3A_92 = arith.fptosi %get3A_91 : vector<16xf32> to vector<16xi32>
        %eq3A_93 = vector.broadcast %scan3A_15 : i32 to vector<16xi32>
        %eq3A_94 = arith.cmpi eq, %convert_element_type3A_92, %eq3A_93 : vector<16xi32>
        %jit3A_95 = arith.constant 1.000000e+00 : f32
        %jit3A_96 = arith.constant 0.000000e+00 : f32
        %broadcast_in_dim3A_97 = vector.broadcast %jit3A_95 : f32 to vector<16xf32>
        %broadcast_in_dim3A_98 = vector.broadcast %jit3A_96 : f32 to vector<16xf32>
        %select_n3A_99 = arith.select %eq3A_94, %broadcast_in_dim3A_97, %broadcast_in_dim3A_98 : vector<16xi1>, vector<16xf32>
        %swap3A_100 = arith.index_cast %scan3A_15 : i32 to index
        %swap3A_101 = arith.constant 80 : index
        %swap3A_102 = tpu.vector_load %arg5[%swap3A_100, %swap3A_101] {strides = array<i32>} : memref<32x512xf32, #tpu.memory_space<vmem>>, vector<1x16xf32>,
        %swap3A_103 = vector.shape_cast %swap3A_102 : vector<1x16xf32> to vector<16xf32>
        %swap3A_104 = vector.shape_cast %select_n3A_99 : vector<16xf32> to vector<1x16xf32>
        tpu.vector_store %arg5[%swap3A_100, %swap3A_101], %swap3A_104 {strides = array<i32>} : memref<32x512xf32, #tpu.memory_space<vmem>>, vector<1x16xf32>,
        %get3A_105 = arith.constant 96 : index
        %get3A_106 = tpu.vector_load %arg4[%get3A_105] {strides = array<i32>} : memref<512xf32, #tpu.memory_space<vmem>>, vector<16xf32>,
        %get3A_107 = vector.shape_cast %get3A_106 : vector<16xf32> to vector<16xf32>
        %convert_element_type3A_108 = arith.fptosi %get3A_107 : vector<16xf32> to vector<16xi32>
        %eq3A_109 = vector.broadcast %scan3A_15 : i32 to vector<16xi32>
        %eq3A_110 = arith.cmpi eq, %convert_element_type3A_108, %eq3A_109 : vector<16xi32>
        %jit3A_111 = arith.constant 1.000000e+00 : f32
        %jit3A_112 = arith.constant 0.000000e+00 : f32
        %broadcast_in_dim3A_113 = vector.broadcast %jit3A_111 : f32 to vector<16xf32>
        %broadcast_in_dim3A_114 = vector.broadcast %jit3A_112 : f32 to vector<16xf32>
        %select_n3A_115 = arith.select %eq3A_110, %broadcast_in_dim3A_113, %broadcast_in_dim3A_114 : vector<16xi1>, vector<16xf32>
        %swap3A_116 = arith.index_cast %scan3A_15 : i32 to index
        %swap3A_117 = arith.constant 96 : index
        %swap3A_118 = tpu.vector_load %arg5[%swap3A_116, %swap3A_117] {strides = array<i32>} : memref<32x512xf32, #tpu.memory_space<vmem>>, vector<1x16xf32>,
        %swap3A_119 = vector.shape_cast %swap3A_118 : vector<1x16xf32> to vector<16xf32>
        %swap3A_120 = vector.shape_cast %select_n3A_115 : vector<16xf32> to vector<1x16xf32>
        tpu.vector_store %arg5[%swap3A_116, %swap3A_117], %swap3A_120 {strides = array<i32>} : memref<32x512xf32, #tpu.memory_space<vmem>>, vector<1x16xf32>,
        %get3A_121 = arith.constant 112 : index
        %get3A_122 = tpu.vector_load %arg4[%get3A_121] {strides = array<i32>} : memref<512xf32, #tpu.memory_space<vmem>>, vector<16xf32>,
        %get3A_123 = vector.shape_cast %get3A_122 : vector<16xf32> to vector<16xf32>
        %convert_element_type3A_124 = arith.fptosi %get3A_123 : vector<16xf32> to vector<16xi32>
        %eq3A_125 = vector.broadcast %scan3A_15 : i32 to vector<16xi32>
        %eq3A_126 = arith.cmpi eq, %convert_element_type3A_124, %eq3A_125 : vector<16xi32>
        %jit3A_127 = arith.constant 1.000000e+00 : f32
        %jit3A_128 = arith.constant 0.000000e+00 : f32
        %broadcast_in_dim3A_129 = vector.broadcast %jit3A_127 : f32 to vector<16xf32>
        %broadcast_in_dim3A_130 = vector.broadcast %jit3A_128 : f32 to vector<16xf32>
        %select_n3A_131 = arith.select %eq3A_126, %broadcast_in_dim3A_129, %broadcast_in_dim3A_130 : vector<16xi1>, vector<16xf32>
        %swap3A_132 = arith.index_cast %scan3A_15 : i32 to index
        %swap3A_133 = arith.constant 112 : index
        %swap3A_134 = tpu.vector_load %arg5[%swap3A_132, %swap3A_133] {strides = array<i32>} : memref<32x512xf32, #tpu.memory_space<vmem>>, vector<1x16xf32>,
        %swap3A_135 = vector.shape_cast %swap3A_134 : vector<1x16xf32> to vector<16xf32>
        %swap3A_136 = vector.shape_cast %select_n3A_131 : vector<16xf32> to vector<1x16xf32>
        tpu.vector_store %arg5[%swap3A_132, %swap3A_133], %swap3A_136 {strides = array<i32>} : memref<32x512xf32, #tpu.memory_space<vmem>>, vector<1x16xf32>,
        %get3A_137 = arith.constant 128 : index
        %get3A_138 = tpu.vector_load %arg4[%get3A_137] {strides = array<i32>} : memref<512xf32, #tpu.memory_space<vmem>>, vector<16xf32>,
        %get3A_139 = vector.shape_cast %get3A_138 : vector<16xf32> to vector<16xf32>
        %convert_element_type3A_140 = arith.fptosi %get3A_139 : vector<16xf32> to vector<16xi32>
        %eq3A_141 = vector.broadcast %scan3A_15 : i32 to vector<16xi32>
        %eq3A_142 = arith.cmpi eq, %convert_element_type3A_140, %eq3A_141 : vector<16xi32>
        %jit3A_143 = arith.constant 1.000000e+00 : f32
        %jit3A_144 = arith.constant 0.000000e+00 : f32
        %broadcast_in_dim3A_145 = vector.broadcast %jit3A_143 : f32 to vector<16xf32>
        %broadcast_in_dim3A_146 = vector.broadcast %jit3A_144 : f32 to vector<16xf32>
        %select_n3A_147 = arith.select %eq3A_142, %broadcast_in_dim3A_145, %broadcast_in_dim3A_146 : vector<16xi1>, vector<16xf32>
        %swap3A_148 = arith.index_cast %scan3A_15 : i32 to index
        %swap3A_149 = arith.constant 128 : index
        %swap3A_150 = tpu.vector_load %arg5[%swap3A_148, %swap3A_149] {strides = array<i32>} : memref<32x512xf32, #tpu.memory_space<vmem>>, vector<1x16xf32>,
        %swap3A_151 = vector.shape_cast %swap3A_150 : vector<1x16xf32> to vector<16xf32>
        %swap3A_152 = vector.shape_cast %select_n3A_147 : vector<16xf32> to vector<1x16xf32>
        tpu.vector_store %arg5[%swap3A_148, %swap3A_149], %swap3A_152 {strides = array<i32>} : memref<32x512xf32, #tpu.memory_space<vmem>>, vector<1x16xf32>,
        %get3A_153 = arith.constant 144 : index
        %get3A_154 = tpu.vector_load %arg4[%get3A_153] {strides = array<i32>} : memref<512xf32, #tpu.memory_space<vmem>>, vector<16xf32>,
        %get3A_155 = vector.shape_cast %get3A_154 : vector<16xf32> to vector<16xf32>
        %convert_element_type3A_156 = arith.fptosi %get3A_155 : vector<16xf32> to vector<16xi32>
        %eq3A_157 = vector.broadcast %scan3A_15 : i32 to vector<16xi32>
        %eq3A_158 = arith.cmpi eq, %convert_element_type3A_156, %eq3A_157 : vector<16xi32>
        %jit3A_159 = arith.constant 1.000000e+00 : f32
        %jit3A_160 = arith.constant 0.000000e+00 : f32
        %broadcast_in_dim3A_161 = vector.broadcast %jit3A_159 : f32 to vector<16xf32>
        %broadcast_in_dim3A_162 = vector.broadcast %jit3A_160 : f32 to vector<16xf32>
        %select_n3A_163 = arith.select %eq3A_158, %broadcast_in_dim3A_161, %broadcast_in_dim3A_162 : vector<16xi1>, vector<16xf32>
        %swap3A_164 = arith.index_cast %scan3A_15 : i32 to index
        %swap3A_165 = arith.constant 144 : index
        %swap3A_166 = tpu.vector_load %arg5[%swap3A_164, %swap3A_165] {strides = array<i32>} : memref<32x512xf32, #tpu.memory_space<vmem>>, vector<1x16xf32>,
        %swap3A_167 = vector.shape_cast %swap3A_166 : vector<1x16xf32> to vector<16xf32>
        %swap3A_168 = vector.shape_cast %select_n3A_163 : vector<16xf32> to vector<1x16xf32>
        tpu.vector_store %arg5[%swap3A_164, %swap3A_165], %swap3A_168 {strides = array<i32>} : memref<32x512xf32, #tpu.memory_space<vmem>>, vector<1x16xf32>,
        %get3A_169 = arith.constant 160 : index
        %get3A_170 = tpu.vector_load %arg4[%get3A_169] {strides = array<i32>} : memref<512xf32, #tpu.memory_space<vmem>>, vector<16xf32>,
        %get3A_171 = vector.shape_cast %get3A_170 : vector<16xf32> to vector<16xf32>
        %convert_element_type3A_172 = arith.fptosi %get3A_171 : vector<16xf32> to vector<16xi32>
        %eq3A_173 = vector.broadcast %scan3A_15 : i32 to vector<16xi32>
        %eq3A_174 = arith.cmpi eq, %convert_element_type3A_172, %eq3A_173 : vector<16xi32>
        %jit3A_175 = arith.constant 1.000000e+00 : f32
        %jit3A_176 = arith.constant 0.000000e+00 : f32
        %broadcast_in_dim3A_177 = vector.broadcast %jit3A_175 : f32 to vector<16xf32>
        %broadcast_in_dim3A_178 = vector.broadcast %jit3A_176 : f32 to vector<16xf32>
        %select_n3A_179 = arith.select %eq3A_174, %broadcast_in_dim3A_177, %broadcast_in_dim3A_178 : vector<16xi1>, vector<16xf32>
        %swap3A_180 = arith.index_cast %scan3A_15 : i32 to index
        %swap3A_181 = arith.constant 160 : index
        %swap3A_182 = tpu.vector_load %arg5[%swap3A_180, %swap3A_181] {strides = array<i32>} : memref<32x512xf32, #tpu.memory_space<vmem>>, vector<1x16xf32>,
        %swap3A_183 = vector.shape_cast %swap3A_182 : vector<1x16xf32> to vector<16xf32>
        %swap3A_184 = vector.shape_cast %select_n3A_179 : vector<16xf32> to vector<1x16xf32>
        tpu.vector_store %arg5[%swap3A_180, %swap3A_181], %swap3A_184 {strides = array<i32>} : memref<32x512xf32, #tpu.memory_space<vmem>>, vector<1x16xf32>,
        %get3A_185 = arith.constant 176 : index
        %get3A_186 = tpu.vector_load %arg4[%get3A_185] {strides = array<i32>} : memref<512xf32, #tpu.memory_space<vmem>>, vector<16xf32>,
        %get3A_187 = vector.shape_cast %get3A_186 : vector<16xf32> to vector<16xf32>
        %convert_element_type3A_188 = arith.fptosi %get3A_187 : vector<16xf32> to vector<16xi32>
        %eq3A_189 = vector.broadcast %scan3A_15 : i32 to vector<16xi32>
        %eq3A_190 = arith.cmpi eq, %convert_element_type3A_188, %eq3A_189 : vector<16xi32>
        %jit3A_191 = arith.constant 1.000000e+00 : f32
        %jit3A_192 = arith.constant 0.000000e+00 : f32
        %broadcast_in_dim3A_193 = vector.broadcast %jit3A_191 : f32 to vector<16xf32>
        %broadcast_in_dim3A_194 = vector.broadcast %jit3A_192 : f32 to vector<16xf32>
        %select_n3A_195 = arith.select %eq3A_190, %broadcast_in_dim3A_193, %broadcast_in_dim3A_194 : vector<16xi1>, vector<16xf32>
        %swap3A_196 = arith.index_cast %scan3A_15 : i32 to index
        %swap3A_197 = arith.constant 176 : index
        %swap3A_198 = tpu.vector_load %arg5[%swap3A_196, %swap3A_197] {strides = array<i32>} : memref<32x512xf32, #tpu.memory_space<vmem>>, vector<1x16xf32>,
        %swap3A_199 = vector.shape_cast %swap3A_198 : vector<1x16xf32> to vector<16xf32>
        %swap3A_200 = vector.shape_cast %select_n3A_195 : vector<16xf32> to vector<1x16xf32>
        tpu.vector_store %arg5[%swap3A_196, %swap3A_197], %swap3A_200 {strides = array<i32>} : memref<32x512xf32, #tpu.memory_space<vmem>>, vector<1x16xf32>,
        %get3A_201 = arith.constant 192 : index
        %get3A_202 = tpu.vector_load %arg4[%get3A_201] {strides = array<i32>} : memref<512xf32, #tpu.memory_space<vmem>>, vector<16xf32>,
        %get3A_203 = vector.shape_cast %get3A_202 : vector<16xf32> to vector<16xf32>
        %convert_element_type3A_204 = arith.fptosi %get3A_203 : vector<16xf32> to vector<16xi32>
        %eq3A_205 = vector.broadcast %scan3A_15 : i32 to vector<16xi32>
        %eq3A_206 = arith.cmpi eq, %convert_element_type3A_204, %eq3A_205 : vector<16xi32>
        %jit3A_207 = arith.constant 1.000000e+00 : f32
        %jit3A_208 = arith.constant 0.000000e+00 : f32
        %broadcast_in_dim3A_209 = vector.broadcast %jit3A_207 : f32 to vector<16xf32>
        %broadcast_in_dim3A_210 = vector.broadcast %jit3A_208 : f32 to vector<16xf32>
        %select_n3A_211 = arith.select %eq3A_206, %broadcast_in_dim3A_209, %broadcast_in_dim3A_210 : vector<16xi1>, vector<16xf32>
        %swap3A_212 = arith.index_cast %scan3A_15 : i32 to index
        %swap3A_213 = arith.constant 192 : index
        %swap3A_214 = tpu.vector_load %arg5[%swap3A_212, %swap3A_213] {strides = array<i32>} : memref<32x512xf32, #tpu.memory_space<vmem>>, vector<1x16xf32>,
        %swap3A_215 = vector.shape_cast %swap3A_214 : vector<1x16xf32> to vector<16xf32>
        %swap3A_216 = vector.shape_cast %select_n3A_211 : vector<16xf32> to vector<1x16xf32>
        tpu.vector_store %arg5[%swap3A_212, %swap3A_213], %swap3A_216 {strides = array<i32>} : memref<32x512xf32, #tpu.memory_space<vmem>>, vector<1x16xf32>,
        %get3A_217 = arith.constant 208 : index
        %get3A_218 = tpu.vector_load %arg4[%get3A_217] {strides = array<i32>} : memref<512xf32, #tpu.memory_space<vmem>>, vector<16xf32>,
        %get3A_219 = vector.shape_cast %get3A_218 : vector<16xf32> to vector<16xf32>
        %convert_element_type3A_220 = arith.fptosi %get3A_219 : vector<16xf32> to vector<16xi32>
        %eq3A_221 = vector.broadcast %scan3A_15 : i32 to vector<16xi32>
        %eq3A_222 = arith.cmpi eq, %convert_element_type3A_220, %eq3A_221 : vector<16xi32>
        %jit3A_223 = arith.constant 1.000000e+00 : f32
        %jit3A_224 = arith.constant 0.000000e+00 : f32
        %broadcast_in_dim3A_225 = vector.broadcast %jit3A_223 : f32 to vector<16xf32>
        %broadcast_in_dim3A_226 = vector.broadcast %jit3A_224 : f32 to vector<16xf32>
        %select_n3A_227 = arith.select %eq3A_222, %broadcast_in_dim3A_225, %broadcast_in_dim3A_226 : vector<16xi1>, vector<16xf32>
        %swap3A_228 = arith.index_cast %scan3A_15 : i32 to index
        %swap3A_229 = arith.constant 208 : index
        %swap3A_230 = tpu.vector_load %arg5[%swap3A_228, %swap3A_229] {strides = array<i32>} : memref<32x512xf32, #tpu.memory_space<vmem>>, vector<1x16xf32>,
        %swap3A_231 = vector.shape_cast %swap3A_230 : vector<1x16xf32> to vector<16xf32>
        %swap3A_232 = vector.shape_cast %select_n3A_227 : vector<16xf32> to vector<1x16xf32>
        tpu.vector_store %arg5[%swap3A_228, %swap3A_229], %swap3A_232 {strides = array<i32>} : memref<32x512xf32, #tpu.memory_space<vmem>>, vector<1x16xf32>,
        %get3A_233 = arith.constant 224 : index
        %get3A_234 = tpu.vector_load %arg4[%get3A_233] {strides = array<i32>} : memref<512xf32, #tpu.memory_space<vmem>>, vector<16xf32>,
        %get3A_235 = vector.shape_cast %get3A_234 : vector<16xf32> to vector<16xf32>
        %convert_element_type3A_236 = arith.fptosi %get3A_235 : vector<16xf32> to vector<16xi32>
        %eq3A_237 = vector.broadcast %scan3A_15 : i32 to vector<16xi32>
        %eq3A_238 = arith.cmpi eq, %convert_element_type3A_236, %eq3A_237 : vector<16xi32>
        %jit3A_239 = arith.constant 1.000000e+00 : f32
        %jit3A_240 = arith.constant 0.000000e+00 : f32
        %broadcast_in_dim3A_241 = vector.broadcast %jit3A_239 : f32 to vector<16xf32>
        %broadcast_in_dim3A_242 = vector.broadcast %jit3A_240 : f32 to vector<16xf32>
        %select_n3A_243 = arith.select %eq3A_238, %broadcast_in_dim3A_241, %broadcast_in_dim3A_242 : vector<16xi1>, vector<16xf32>
        %swap3A_244 = arith.index_cast %scan3A_15 : i32 to index
        %swap3A_245 = arith.constant 224 : index
        %swap3A_246 = tpu.vector_load %arg5[%swap3A_244, %swap3A_245] {strides = array<i32>} : memref<32x512xf32, #tpu.memory_space<vmem>>, vector<1x16xf32>,
        %swap3A_247 = vector.shape_cast %swap3A_246 : vector<1x16xf32> to vector<16xf32>
        %swap3A_248 = vector.shape_cast %select_n3A_243 : vector<16xf32> to vector<1x16xf32>
        tpu.vector_store %arg5[%swap3A_244, %swap3A_245], %swap3A_248 {strides = array<i32>} : memref<32x512xf32, #tpu.memory_space<vmem>>, vector<1x16xf32>,
        %get3A_249 = arith.constant 240 : index
        %get3A_250 = tpu.vector_load %arg4[%get3A_249] {strides = array<i32>} : memref<512xf32, #tpu.memory_space<vmem>>, vector<16xf32>,
        %get3A_251 = vector.shape_cast %get3A_250 : vector<16xf32> to vector<16xf32>
        %convert_element_type3A_252 = arith.fptosi %get3A_251 : vector<16xf32> to vector<16xi32>
        %eq3A_253 = vector.broadcast %scan3A_15 : i32 to vector<16xi32>
        %eq3A_254 = arith.cmpi eq, %convert_element_type3A_252, %eq3A_253 : vector<16xi32>
        %jit3A_255 = arith.constant 1.000000e+00 : f32
        %jit3A_256 = arith.constant 0.000000e+00 : f32
        %broadcast_in_dim3A_257 = vector.broadcast %jit3A_255 : f32 to vector<16xf32>
        %broadcast_in_dim3A_258 = vector.broadcast %jit3A_256 : f32 to vector<16xf32>
        %select_n3A_259 = arith.select %eq3A_254, %broadcast_in_dim3A_257, %broadcast_in_dim3A_258 : vector<16xi1>, vector<16xf32>
        %swap3A_260 = arith.index_cast %scan3A_15 : i32 to index
        %swap3A_261 = arith.constant 240 : index
        %swap3A_262 = tpu.vector_load %arg5[%swap3A_260, %swap3A_261] {strides = array<i32>} : memref<32x512xf32, #tpu.memory_space<vmem>>, vector<1x16xf32>,
        %swap3A_263 = vector.shape_cast %swap3A_262 : vector<1x16xf32> to vector<16xf32>
        %swap3A_264 = vector.shape_cast %select_n3A_259 : vector<16xf32> to vector<1x16xf32>
        tpu.vector_store %arg5[%swap3A_260, %swap3A_261], %swap3A_264 {strides = array<i32>} : memref<32x512xf32, #tpu.memory_space<vmem>>, vector<1x16xf32>,
        %get3A_265 = arith.constant 256 : index
        %get3A_266 = tpu.vector_load %arg4[%get3A_265] {strides = array<i32>} : memref<512xf32, #tpu.memory_space<vmem>>, vector<16xf32>,
        %get3A_267 = vector.shape_cast %get3A_266 : vector<16xf32> to vector<16xf32>
        %convert_element_type3A_268 = arith.fptosi %get3A_267 : vector<16xf32> to vector<16xi32>
        %eq3A_269 = vector.broadcast %scan3A_15 : i32 to vector<16xi32>
        %eq3A_270 = arith.cmpi eq, %convert_element_type3A_268, %eq3A_269 : vector<16xi32>
        %jit3A_271 = arith.constant 1.000000e+00 : f32
        %jit3A_272 = arith.constant 0.000000e+00 : f32
        %broadcast_in_dim3A_273 = vector.broadcast %jit3A_271 : f32 to vector<16xf32>
        %broadcast_in_dim3A_274 = vector.broadcast %jit3A_272 : f32 to vector<16xf32>
        %select_n3A_275 = arith.select %eq3A_270, %broadcast_in_dim3A_273, %broadcast_in_dim3A_274 : vector<16xi1>, vector<16xf32>
        %swap3A_276 = arith.index_cast %scan3A_15 : i32 to index
        %swap3A_277 = arith.constant 256 : index
        %swap3A_278 = tpu.vector_load %arg5[%swap3A_276, %swap3A_277] {strides = array<i32>} : memref<32x512xf32, #tpu.memory_space<vmem>>, vector<1x16xf32>,
        %swap3A_279 = vector.shape_cast %swap3A_278 : vector<1x16xf32> to vector<16xf32>
        %swap3A_280 = vector.shape_cast %select_n3A_275 : vector<16xf32> to vector<1x16xf32>
        tpu.vector_store %arg5[%swap3A_276, %swap3A_277], %swap3A_280 {strides = array<i32>} : memref<32x512xf32, #tpu.memory_space<vmem>>, vector<1x16xf32>,
        %get3A_281 = arith.constant 272 : index
        %get3A_282 = tpu.vector_load %arg4[%get3A_281] {strides = array<i32>} : memref<512xf32, #tpu.memory_space<vmem>>, vector<16xf32>,
        %get3A_283 = vector.shape_cast %get3A_282 : vector<16xf32> to vector<16xf32>
        %convert_element_type3A_284 = arith.fptosi %get3A_283 : vector<16xf32> to vector<16xi32>
        %eq3A_285 = vector.broadcast %scan3A_15 : i32 to vector<16xi32>
        %eq3A_286 = arith.cmpi eq, %convert_element_type3A_284, %eq3A_285 : vector<16xi32>
        %jit3A_287 = arith.constant 1.000000e+00 : f32
        %jit3A_288 = arith.constant 0.000000e+00 : f32
        %broadcast_in_dim3A_289 = vector.broadcast %jit3A_287 : f32 to vector<16xf32>
        %broadcast_in_dim3A_290 = vector.broadcast %jit3A_288 : f32 to vector<16xf32>
        %select_n3A_291 = arith.select %eq3A_286, %broadcast_in_dim3A_289, %broadcast_in_dim3A_290 : vector<16xi1>, vector<16xf32>
        %swap3A_292 = arith.index_cast %scan3A_15 : i32 to index
        %swap3A_293 = arith.constant 272 : index
        %swap3A_294 = tpu.vector_load %arg5[%swap3A_292, %swap3A_293] {strides = array<i32>} : memref<32x512xf32, #tpu.memory_space<vmem>>, vector<1x16xf32>,
        %swap3A_295 = vector.shape_cast %swap3A_294 : vector<1x16xf32> to vector<16xf32>
        %swap3A_296 = vector.shape_cast %select_n3A_291 : vector<16xf32> to vector<1x16xf32>
        tpu.vector_store %arg5[%swap3A_292, %swap3A_293], %swap3A_296 {strides = array<i32>} : memref<32x512xf32, #tpu.memory_space<vmem>>, vector<1x16xf32>,
        %get3A_297 = arith.constant 288 : index
        %get3A_298 = tpu.vector_load %arg4[%get3A_297] {strides = array<i32>} : memref<512xf32, #tpu.memory_space<vmem>>, vector<16xf32>,
        %get3A_299 = vector.shape_cast %get3A_298 : vector<16xf32> to vector<16xf32>
        %convert_element_type3A_300 = arith.fptosi %get3A_299 : vector<16xf32> to vector<16xi32>
        %eq3A_301 = vector.broadcast %scan3A_15 : i32 to vector<16xi32>
        %eq3A_302 = arith.cmpi eq, %convert_element_type3A_300, %eq3A_301 : vector<16xi32>
        %jit3A_303 = arith.constant 1.000000e+00 : f32
        %jit3A_304 = arith.constant 0.000000e+00 : f32
        %broadcast_in_dim3A_305 = vector.broadcast %jit3A_303 : f32 to vector<16xf32>
        %broadcast_in_dim3A_306 = vector.broadcast %jit3A_304 : f32 to vector<16xf32>
        %select_n3A_307 = arith.select %eq3A_302, %broadcast_in_dim3A_305, %broadcast_in_dim3A_306 : vector<16xi1>, vector<16xf32>
        %swap3A_308 = arith.index_cast %scan3A_15 : i32 to index
        %swap3A_309 = arith.constant 288 : index
        %swap3A_310 = tpu.vector_load %arg5[%swap3A_308, %swap3A_309] {strides = array<i32>} : memref<32x512xf32, #tpu.memory_space<vmem>>, vector<1x16xf32>,
        %swap3A_311 = vector.shape_cast %swap3A_310 : vector<1x16xf32> to vector<16xf32>
        %swap3A_312 = vector.shape_cast %select_n3A_307 : vector<16xf32> to vector<1x16xf32>
        tpu.vector_store %arg5[%swap3A_308, %swap3A_309], %swap3A_312 {strides = array<i32>} : memref<32x512xf32, #tpu.memory_space<vmem>>, vector<1x16xf32>,
        %get3A_313 = arith.constant 304 : index
        %get3A_314 = tpu.vector_load %arg4[%get3A_313] {strides = array<i32>} : memref<512xf32, #tpu.memory_space<vmem>>, vector<16xf32>,
        %get3A_315 = vector.shape_cast %get3A_314 : vector<16xf32> to vector<16xf32>
        %convert_element_type3A_316 = arith.fptosi %get3A_315 : vector<16xf32> to vector<16xi32>
        %eq3A_317 = vector.broadcast %scan3A_15 : i32 to vector<16xi32>
        %eq3A_318 = arith.cmpi eq, %convert_element_type3A_316, %eq3A_317 : vector<16xi32>
        %jit3A_319 = arith.constant 1.000000e+00 : f32
        %jit3A_320 = arith.constant 0.000000e+00 : f32
        %broadcast_in_dim3A_321 = vector.broadcast %jit3A_319 : f32 to vector<16xf32>
        %broadcast_in_dim3A_322 = vector.broadcast %jit3A_320 : f32 to vector<16xf32>
        %select_n3A_323 = arith.select %eq3A_318, %broadcast_in_dim3A_321, %broadcast_in_dim3A_322 : vector<16xi1>, vector<16xf32>
        %swap3A_324 = arith.index_cast %scan3A_15 : i32 to index
        %swap3A_325 = arith.constant 304 : index
        %swap3A_326 = tpu.vector_load %arg5[%swap3A_324, %swap3A_325] {strides = array<i32>} : memref<32x512xf32, #tpu.memory_space<vmem>>, vector<1x16xf32>,
        %swap3A_327 = vector.shape_cast %swap3A_326 : vector<1x16xf32> to vector<16xf32>
        %swap3A_328 = vector.shape_cast %select_n3A_323 : vector<16xf32> to vector<1x16xf32>
        tpu.vector_store %arg5[%swap3A_324, %swap3A_325], %swap3A_328 {strides = array<i32>} : memref<32x512xf32, #tpu.memory_space<vmem>>, vector<1x16xf32>,
        %get3A_329 = arith.constant 320 : index
        %get3A_330 = tpu.vector_load %arg4[%get3A_329] {strides = array<i32>} : memref<512xf32, #tpu.memory_space<vmem>>, vector<16xf32>,
        %get3A_331 = vector.shape_cast %get3A_330 : vector<16xf32> to vector<16xf32>
        %convert_element_type3A_332 = arith.fptosi %get3A_331 : vector<16xf32> to vector<16xi32>
        %eq3A_333 = vector.broadcast %scan3A_15 : i32 to vector<16xi32>
        %eq3A_334 = arith.cmpi eq, %convert_element_type3A_332, %eq3A_333 : vector<16xi32>
        %jit3A_335 = arith.constant 1.000000e+00 : f32
        %jit3A_336 = arith.constant 0.000000e+00 : f32
        %broadcast_in_dim3A_337 = vector.broadcast %jit3A_335 : f32 to vector<16xf32>
        %broadcast_in_dim3A_338 = vector.broadcast %jit3A_336 : f32 to vector<16xf32>
        %select_n3A_339 = arith.select %eq3A_334, %broadcast_in_dim3A_337, %broadcast_in_dim3A_338 : vector<16xi1>, vector<16xf32>
        %swap3A_340 = arith.index_cast %scan3A_15 : i32 to index
        %swap3A_341 = arith.constant 320 : index
        %swap3A_342 = tpu.vector_load %arg5[%swap3A_340, %swap3A_341] {strides = array<i32>} : memref<32x512xf32, #tpu.memory_space<vmem>>, vector<1x16xf32>,
        %swap3A_343 = vector.shape_cast %swap3A_342 : vector<1x16xf32> to vector<16xf32>
        %swap3A_344 = vector.shape_cast %select_n3A_339 : vector<16xf32> to vector<1x16xf32>
        tpu.vector_store %arg5[%swap3A_340, %swap3A_341], %swap3A_344 {strides = array<i32>} : memref<32x512xf32, #tpu.memory_space<vmem>>, vector<1x16xf32>,
        %get3A_345 = arith.constant 336 : index
        %get3A_346 = tpu.vector_load %arg4[%get3A_345] {strides = array<i32>} : memref<512xf32, #tpu.memory_space<vmem>>, vector<16xf32>,
        %get3A_347 = vector.shape_cast %get3A_346 : vector<16xf32> to vector<16xf32>
        %convert_element_type3A_348 = arith.fptosi %get3A_347 : vector<16xf32> to vector<16xi32>
        %eq3A_349 = vector.broadcast %scan3A_15 : i32 to vector<16xi32>
        %eq3A_350 = arith.cmpi eq, %convert_element_type3A_348, %eq3A_349 : vector<16xi32>
        %jit3A_351 = arith.constant 1.000000e+00 : f32
        %jit3A_352 = arith.constant 0.000000e+00 : f32
        %broadcast_in_dim3A_353 = vector.broadcast %jit3A_351 : f32 to vector<16xf32>
        %broadcast_in_dim3A_354 = vector.broadcast %jit3A_352 : f32 to vector<16xf32>
        %select_n3A_355 = arith.select %eq3A_350, %broadcast_in_dim3A_353, %broadcast_in_dim3A_354 : vector<16xi1>, vector<16xf32>
        %swap3A_356 = arith.index_cast %scan3A_15 : i32 to index
        %swap3A_357 = arith.constant 336 : index
        %swap3A_358 = tpu.vector_load %arg5[%swap3A_356, %swap3A_357] {strides = array<i32>} : memref<32x512xf32, #tpu.memory_space<vmem>>, vector<1x16xf32>,
        %swap3A_359 = vector.shape_cast %swap3A_358 : vector<1x16xf32> to vector<16xf32>
        %swap3A_360 = vector.shape_cast %select_n3A_355 : vector<16xf32> to vector<1x16xf32>
        tpu.vector_store %arg5[%swap3A_356, %swap3A_357], %swap3A_360 {strides = array<i32>} : memref<32x512xf32, #tpu.memory_space<vmem>>, vector<1x16xf32>,
        %get3A_361 = arith.constant 352 : index
        %get3A_362 = tpu.vector_load %arg4[%get3A_361] {strides = array<i32>} : memref<512xf32, #tpu.memory_space<vmem>>, vector<16xf32>,
        %get3A_363 = vector.shape_cast %get3A_362 : vector<16xf32> to vector<16xf32>
        %convert_element_type3A_364 = arith.fptosi %get3A_363 : vector<16xf32> to vector<16xi32>
        %eq3A_365 = vector.broadcast %scan3A_15 : i32 to vector<16xi32>
        %eq3A_366 = arith.cmpi eq, %convert_element_type3A_364, %eq3A_365 : vector<16xi32>
        %jit3A_367 = arith.constant 1.000000e+00 : f32
        %jit3A_368 = arith.constant 0.000000e+00 : f32
        %broadcast_in_dim3A_369 = vector.broadcast %jit3A_367 : f32 to vector<16xf32>
        %broadcast_in_dim3A_370 = vector.broadcast %jit3A_368 : f32 to vector<16xf32>
        %select_n3A_371 = arith.select %eq3A_366, %broadcast_in_dim3A_369, %broadcast_in_dim3A_370 : vector<16xi1>, vector<16xf32>
        %swap3A_372 = arith.index_cast %scan3A_15 : i32 to index
        %swap3A_373 = arith.constant 352 : index
        %swap3A_374 = tpu.vector_load %arg5[%swap3A_372, %swap3A_373] {strides = array<i32>} : memref<32x512xf32, #tpu.memory_space<vmem>>, vector<1x16xf32>,
        %swap3A_375 = vector.shape_cast %swap3A_374 : vector<1x16xf32> to vector<16xf32>
        %swap3A_376 = vector.shape_cast %select_n3A_371 : vector<16xf32> to vector<1x16xf32>
        tpu.vector_store %arg5[%swap3A_372, %swap3A_373], %swap3A_376 {strides = array<i32>} : memref<32x512xf32, #tpu.memory_space<vmem>>, vector<1x16xf32>,
        %get3A_377 = arith.constant 368 : index
        %get3A_378 = tpu.vector_load %arg4[%get3A_377] {strides = array<i32>} : memref<512xf32, #tpu.memory_space<vmem>>, vector<16xf32>,
        %get3A_379 = vector.shape_cast %get3A_378 : vector<16xf32> to vector<16xf32>
        %convert_element_type3A_380 = arith.fptosi %get3A_379 : vector<16xf32> to vector<16xi32>
        %eq3A_381 = vector.broadcast %scan3A_15 : i32 to vector<16xi32>
        %eq3A_382 = arith.cmpi eq, %convert_element_type3A_380, %eq3A_381 : vector<16xi32>
        %jit3A_383 = arith.constant 1.000000e+00 : f32
        %jit3A_384 = arith.constant 0.000000e+00 : f32
        %broadcast_in_dim3A_385 = vector.broadcast %jit3A_383 : f32 to vector<16xf32>
        %broadcast_in_dim3A_386 = vector.broadcast %jit3A_384 : f32 to vector<16xf32>
        %select_n3A_387 = arith.select %eq3A_382, %broadcast_in_dim3A_385, %broadcast_in_dim3A_386 : vector<16xi1>, vector<16xf32>
        %swap3A_388 = arith.index_cast %scan3A_15 : i32 to index
        %swap3A_389 = arith.constant 368 : index
        %swap3A_390 = tpu.vector_load %arg5[%swap3A_388, %swap3A_389] {strides = array<i32>} : memref<32x512xf32, #tpu.memory_space<vmem>>, vector<1x16xf32>,
        %swap3A_391 = vector.shape_cast %swap3A_390 : vector<1x16xf32> to vector<16xf32>
        %swap3A_392 = vector.shape_cast %select_n3A_387 : vector<16xf32> to vector<1x16xf32>
        tpu.vector_store %arg5[%swap3A_388, %swap3A_389], %swap3A_392 {strides = array<i32>} : memref<32x512xf32, #tpu.memory_space<vmem>>, vector<1x16xf32>,
        %get3A_393 = arith.constant 384 : index
        %get3A_394 = tpu.vector_load %arg4[%get3A_393] {strides = array<i32>} : memref<512xf32, #tpu.memory_space<vmem>>, vector<16xf32>,
        %get3A_395 = vector.shape_cast %get3A_394 : vector<16xf32> to vector<16xf32>
        %convert_element_type3A_396 = arith.fptosi %get3A_395 : vector<16xf32> to vector<16xi32>
        %eq3A_397 = vector.broadcast %scan3A_15 : i32 to vector<16xi32>
        %eq3A_398 = arith.cmpi eq, %convert_element_type3A_396, %eq3A_397 : vector<16xi32>
        %jit3A_399 = arith.constant 1.000000e+00 : f32
        %jit3A_400 = arith.constant 0.000000e+00 : f32
        %broadcast_in_dim3A_401 = vector.broadcast %jit3A_399 : f32 to vector<16xf32>
        %broadcast_in_dim3A_402 = vector.broadcast %jit3A_400 : f32 to vector<16xf32>
        %select_n3A_403 = arith.select %eq3A_398, %broadcast_in_dim3A_401, %broadcast_in_dim3A_402 : vector<16xi1>, vector<16xf32>
        %swap3A_404 = arith.index_cast %scan3A_15 : i32 to index
        %swap3A_405 = arith.constant 384 : index
        %swap3A_406 = tpu.vector_load %arg5[%swap3A_404, %swap3A_405] {strides = array<i32>} : memref<32x512xf32, #tpu.memory_space<vmem>>, vector<1x16xf32>,
        %swap3A_407 = vector.shape_cast %swap3A_406 : vector<1x16xf32> to vector<16xf32>
        %swap3A_408 = vector.shape_cast %select_n3A_403 : vector<16xf32> to vector<1x16xf32>
        tpu.vector_store %arg5[%swap3A_404, %swap3A_405], %swap3A_408 {strides = array<i32>} : memref<32x512xf32, #tpu.memory_space<vmem>>, vector<1x16xf32>,
        %get3A_409 = arith.constant 400 : index
        %get3A_410 = tpu.vector_load %arg4[%get3A_409] {strides = array<i32>} : memref<512xf32, #tpu.memory_space<vmem>>, vector<16xf32>,
        %get3A_411 = vector.shape_cast %get3A_410 : vector<16xf32> to vector<16xf32>
        %convert_element_type3A_412 = arith.fptosi %get3A_411 : vector<16xf32> to vector<16xi32>
        %eq3A_413 = vector.broadcast %scan3A_15 : i32 to vector<16xi32>
        %eq3A_414 = arith.cmpi eq, %convert_element_type3A_412, %eq3A_413 : vector<16xi32>
        %jit3A_415 = arith.constant 1.000000e+00 : f32
        %jit3A_416 = arith.constant 0.000000e+00 : f32
        %broadcast_in_dim3A_417 = vector.broadcast %jit3A_415 : f32 to vector<16xf32>
        %broadcast_in_dim3A_418 = vector.broadcast %jit3A_416 : f32 to vector<16xf32>
        %select_n3A_419 = arith.select %eq3A_414, %broadcast_in_dim3A_417, %broadcast_in_dim3A_418 : vector<16xi1>, vector<16xf32>
        %swap3A_420 = arith.index_cast %scan3A_15 : i32 to index
        %swap3A_421 = arith.constant 400 : index
        %swap3A_422 = tpu.vector_load %arg5[%swap3A_420, %swap3A_421] {strides = array<i32>} : memref<32x512xf32, #tpu.memory_space<vmem>>, vector<1x16xf32>,
        %swap3A_423 = vector.shape_cast %swap3A_422 : vector<1x16xf32> to vector<16xf32>
        %swap3A_424 = vector.shape_cast %select_n3A_419 : vector<16xf32> to vector<1x16xf32>
        tpu.vector_store %arg5[%swap3A_420, %swap3A_421], %swap3A_424 {strides = array<i32>} : memref<32x512xf32, #tpu.memory_space<vmem>>, vector<1x16xf32>,
        %get3A_425 = arith.constant 416 : index
        %get3A_426 = tpu.vector_load %arg4[%get3A_425] {strides = array<i32>} : memref<512xf32, #tpu.memory_space<vmem>>, vector<16xf32>,
        %get3A_427 = vector.shape_cast %get3A_426 : vector<16xf32> to vector<16xf32>
        %convert_element_type3A_428 = arith.fptosi %get3A_427 : vector<16xf32> to vector<16xi32>
        %eq3A_429 = vector.broadcast %scan3A_15 : i32 to vector<16xi32>
        %eq3A_430 = arith.cmpi eq, %convert_element_type3A_428, %eq3A_429 : vector<16xi32>
        %jit3A_431 = arith.constant 1.000000e+00 : f32
        %jit3A_432 = arith.constant 0.000000e+00 : f32
        %broadcast_in_dim3A_433 = vector.broadcast %jit3A_431 : f32 to vector<16xf32>
        %broadcast_in_dim3A_434 = vector.broadcast %jit3A_432 : f32 to vector<16xf32>
        %select_n3A_435 = arith.select %eq3A_430, %broadcast_in_dim3A_433, %broadcast_in_dim3A_434 : vector<16xi1>, vector<16xf32>
        %swap3A_436 = arith.index_cast %scan3A_15 : i32 to index
        %swap3A_437 = arith.constant 416 : index
        %swap3A_438 = tpu.vector_load %arg5[%swap3A_436, %swap3A_437] {strides = array<i32>} : memref<32x512xf32, #tpu.memory_space<vmem>>, vector<1x16xf32>,
        %swap3A_439 = vector.shape_cast %swap3A_438 : vector<1x16xf32> to vector<16xf32>
        %swap3A_440 = vector.shape_cast %select_n3A_435 : vector<16xf32> to vector<1x16xf32>
        tpu.vector_store %arg5[%swap3A_436, %swap3A_437], %swap3A_440 {strides = array<i32>} : memref<32x512xf32, #tpu.memory_space<vmem>>, vector<1x16xf32>,
        %get3A_441 = arith.constant 432 : index
        %get3A_442 = tpu.vector_load %arg4[%get3A_441] {strides = array<i32>} : memref<512xf32, #tpu.memory_space<vmem>>, vector<16xf32>,
        %get3A_443 = vector.shape_cast %get3A_442 : vector<16xf32> to vector<16xf32>
        %convert_element_type3A_444 = arith.fptosi %get3A_443 : vector<16xf32> to vector<16xi32>
        %eq3A_445 = vector.broadcast %scan3A_15 : i32 to vector<16xi32>
        %eq3A_446 = arith.cmpi eq, %convert_element_type3A_444, %eq3A_445 : vector<16xi32>
        %jit3A_447 = arith.constant 1.000000e+00 : f32
        %jit3A_448 = arith.constant 0.000000e+00 : f32
        %broadcast_in_dim3A_449 = vector.broadcast %jit3A_447 : f32 to vector<16xf32>
        %broadcast_in_dim3A_450 = vector.broadcast %jit3A_448 : f32 to vector<16xf32>
        %select_n3A_451 = arith.select %eq3A_446, %broadcast_in_dim3A_449, %broadcast_in_dim3A_450 : vector<16xi1>, vector<16xf32>
        %swap3A_452 = arith.index_cast %scan3A_15 : i32 to index
        %swap3A_453 = arith.constant 432 : index
        %swap3A_454 = tpu.vector_load %arg5[%swap3A_452, %swap3A_453] {strides = array<i32>} : memref<32x512xf32, #tpu.memory_space<vmem>>, vector<1x16xf32>,
        %swap3A_455 = vector.shape_cast %swap3A_454 : vector<1x16xf32> to vector<16xf32>
        %swap3A_456 = vector.shape_cast %select_n3A_451 : vector<16xf32> to vector<1x16xf32>
        tpu.vector_store %arg5[%swap3A_452, %swap3A_453], %swap3A_456 {strides = array<i32>} : memref<32x512xf32, #tpu.memory_space<vmem>>, vector<1x16xf32>,
        %get3A_457 = arith.constant 448 : index
        %get3A_458 = tpu.vector_load %arg4[%get3A_457] {strides = array<i32>} : memref<512xf32, #tpu.memory_space<vmem>>, vector<16xf32>,
        %get3A_459 = vector.shape_cast %get3A_458 : vector<16xf32> to vector<16xf32>
        %convert_element_type3A_460 = arith.fptosi %get3A_459 : vector<16xf32> to vector<16xi32>
        %eq3A_461 = vector.broadcast %scan3A_15 : i32 to vector<16xi32>
        %eq3A_462 = arith.cmpi eq, %convert_element_type3A_460, %eq3A_461 : vector<16xi32>
        %jit3A_463 = arith.constant 1.000000e+00 : f32
        %jit3A_464 = arith.constant 0.000000e+00 : f32
        %broadcast_in_dim3A_465 = vector.broadcast %jit3A_463 : f32 to vector<16xf32>
        %broadcast_in_dim3A_466 = vector.broadcast %jit3A_464 : f32 to vector<16xf32>
        %select_n3A_467 = arith.select %eq3A_462, %broadcast_in_dim3A_465, %broadcast_in_dim3A_466 : vector<16xi1>, vector<16xf32>
        %swap3A_468 = arith.index_cast %scan3A_15 : i32 to index
        %swap3A_469 = arith.constant 448 : index
        %swap3A_470 = tpu.vector_load %arg5[%swap3A_468, %swap3A_469] {strides = array<i32>} : memref<32x512xf32, #tpu.memory_space<vmem>>, vector<1x16xf32>,
        %swap3A_471 = vector.shape_cast %swap3A_470 : vector<1x16xf32> to vector<16xf32>
        %swap3A_472 = vector.shape_cast %select_n3A_467 : vector<16xf32> to vector<1x16xf32>
        tpu.vector_store %arg5[%swap3A_468, %swap3A_469], %swap3A_472 {strides = array<i32>} : memref<32x512xf32, #tpu.memory_space<vmem>>, vector<1x16xf32>,
        %get3A_473 = arith.constant 464 : index
        %get3A_474 = tpu.vector_load %arg4[%get3A_473] {strides = array<i32>} : memref<512xf32, #tpu.memory_space<vmem>>, vector<16xf32>,
        %get3A_475 = vector.shape_cast %get3A_474 : vector<16xf32> to vector<16xf32>
        %convert_element_type3A_476 = arith.fptosi %get3A_475 : vector<16xf32> to vector<16xi32>
        %eq3A_477 = vector.broadcast %scan3A_15 : i32 to vector<16xi32>
        %eq3A_478 = arith.cmpi eq, %convert_element_type3A_476, %eq3A_477 : vector<16xi32>
        %jit3A_479 = arith.constant 1.000000e+00 : f32
        %jit3A_480 = arith.constant 0.000000e+00 : f32
        %broadcast_in_dim3A_481 = vector.broadcast %jit3A_479 : f32 to vector<16xf32>
        %broadcast_in_dim3A_482 = vector.broadcast %jit3A_480 : f32 to vector<16xf32>
        %select_n3A_483 = arith.select %eq3A_478, %broadcast_in_dim3A_481, %broadcast_in_dim3A_482 : vector<16xi1>, vector<16xf32>
        %swap3A_484 = arith.index_cast %scan3A_15 : i32 to index
        %swap3A_485 = arith.constant 464 : index
        %swap3A_486 = tpu.vector_load %arg5[%swap3A_484, %swap3A_485] {strides = array<i32>} : memref<32x512xf32, #tpu.memory_space<vmem>>, vector<1x16xf32>,
        %swap3A_487 = vector.shape_cast %swap3A_486 : vector<1x16xf32> to vector<16xf32>
        %swap3A_488 = vector.shape_cast %select_n3A_483 : vector<16xf32> to vector<1x16xf32>
        tpu.vector_store %arg5[%swap3A_484, %swap3A_485], %swap3A_488 {strides = array<i32>} : memref<32x512xf32, #tpu.memory_space<vmem>>, vector<1x16xf32>,
        %get3A_489 = arith.constant 480 : index
        %get3A_490 = tpu.vector_load %arg4[%get3A_489] {strides = array<i32>} : memref<512xf32, #tpu.memory_space<vmem>>, vector<16xf32>,
        %get3A_491 = vector.shape_cast %get3A_490 : vector<16xf32> to vector<16xf32>
        %convert_element_type3A_492 = arith.fptosi %get3A_491 : vector<16xf32> to vector<16xi32>
        %eq3A_493 = vector.broadcast %scan3A_15 : i32 to vector<16xi32>
        %eq3A_494 = arith.cmpi eq, %convert_element_type3A_492, %eq3A_493 : vector<16xi32>
        %jit3A_495 = arith.constant 1.000000e+00 : f32
        %jit3A_496 = arith.constant 0.000000e+00 : f32
        %broadcast_in_dim3A_497 = vector.broadcast %jit3A_495 : f32 to vector<16xf32>
        %broadcast_in_dim3A_498 = vector.broadcast %jit3A_496 : f32 to vector<16xf32>
        %select_n3A_499 = arith.select %eq3A_494, %broadcast_in_dim3A_497, %broadcast_in_dim3A_498 : vector<16xi1>, vector<16xf32>
        %swap3A_500 = arith.index_cast %scan3A_15 : i32 to index
        %swap3A_501 = arith.constant 480 : index
        %swap3A_502 = tpu.vector_load %arg5[%swap3A_500, %swap3A_501] {strides = array<i32>} : memref<32x512xf32, #tpu.memory_space<vmem>>, vector<1x16xf32>,
        %swap3A_503 = vector.shape_cast %swap3A_502 : vector<1x16xf32> to vector<16xf32>
        %swap3A_504 = vector.shape_cast %select_n3A_499 : vector<16xf32> to vector<1x16xf32>
        tpu.vector_store %arg5[%swap3A_500, %swap3A_501], %swap3A_504 {strides = array<i32>} : memref<32x512xf32, #tpu.memory_space<vmem>>, vector<1x16xf32>,
        %get3A_505 = arith.constant 496 : index
        %get3A_506 = tpu.vector_load %arg4[%get3A_505] {strides = array<i32>} : memref<512xf32, #tpu.memory_space<vmem>>, vector<16xf32>,
        %get3A_507 = vector.shape_cast %get3A_506 : vector<16xf32> to vector<16xf32>
        %convert_element_type3A_508 = arith.fptosi %get3A_507 : vector<16xf32> to vector<16xi32>
        %eq3A_509 = vector.broadcast %scan3A_15 : i32 to vector<16xi32>
        %eq3A_510 = arith.cmpi eq, %convert_element_type3A_508, %eq3A_509 : vector<16xi32>
        %jit3A_511 = arith.constant 1.000000e+00 : f32
        %jit3A_512 = arith.constant 0.000000e+00 : f32
        %broadcast_in_dim3A_513 = vector.broadcast %jit3A_511 : f32 to vector<16xf32>
        %broadcast_in_dim3A_514 = vector.broadcast %jit3A_512 : f32 to vector<16xf32>
        %select_n3A_515 = arith.select %eq3A_510, %broadcast_in_dim3A_513, %broadcast_in_dim3A_514 : vector<16xi1>, vector<16xf32>
        %swap3A_516 = arith.index_cast %scan3A_15 : i32 to index
        %swap3A_517 = arith.constant 496 : index
        %swap3A_518 = tpu.vector_load %arg5[%swap3A_516, %swap3A_517] {strides = array<i32>} : memref<32x512xf32, #tpu.memory_space<vmem>>, vector<1x16xf32>,
        %swap3A_519 = vector.shape_cast %swap3A_518 : vector<1x16xf32> to vector<16xf32>
        %swap3A_520 = vector.shape_cast %select_n3A_515 : vector<16xf32> to vector<1x16xf32>
        tpu.vector_store %arg5[%swap3A_516, %swap3A_517], %swap3A_520 {strides = array<i32>} : memref<32x512xf32, #tpu.memory_space<vmem>>, vector<1x16xf32>,
      }
      %scan3A_14 = arith.constant 32 : i32
      "tpu.region"() ({
        %run_scoped3A_15 = tpu.sem_alloc : memref<!tpu.dma_semaphore, #tpu.memory_space<semaphore_mem>>
        %dma_start3A = arith.constant 0 : i32
        %dma_start3A_16 = tpu.memref_slice %arg3[%scan3A_8, %dma_start3A, %mul3A_2] : memref<200x32x16384xf32, #tpu.memory_space<hbm>> -> memref<1x32x512xf32, #tpu.memory_space<hbm>>
        %dma_start3A_17 = tpu.memref_squeeze %dma_start3A_16 : memref<1x32x512xf32, #tpu.memory_space<hbm>> -> memref<32x512xf32, #tpu.memory_space<hbm>>
        %dma_start3A_18 = arith.constant 0 : i32
        %dma_start3A_19 = tpu.memref_slice %arg3[%scan3A_8, %dma_start3A_18, %mul3A_2] : memref<200x32x16384xf32, #tpu.memory_space<hbm>> -> memref<1x32x512xf32, #tpu.memory_space<hbm>>
        %dma_start3A_20 = tpu.memref_squeeze %dma_start3A_19 : memref<1x32x512xf32, #tpu.memory_space<hbm>> -> memref<32x512xf32, #tpu.memory_space<hbm>>
        tpu.enqueue_dma source(%arg5 : memref<32x512xf32, #tpu.memory_space<vmem>>) target(%dma_start3A_20 : memref<32x512xf32, #tpu.memory_space<hbm>>) target_semaphore(%run_scoped3A_15 : memref<!tpu.dma_semaphore, #tpu.memory_space<semaphore_mem>>)
        %dma_wait3A = arith.constant 0 : i32
        %dma_wait3A_21 = tpu.memref_slice %arg3[%scan3A_8, %dma_wait3A, %mul3A_2] : memref<200x32x16384xf32, #tpu.memory_space<hbm>> -> memref<1x32x512xf32, #tpu.memory_space<hbm>>
        %dma_wait3A_22 = tpu.memref_squeeze %dma_wait3A_21 : memref<1x32x512xf32, #tpu.memory_space<hbm>> -> memref<32x512xf32, #tpu.memory_space<hbm>>
        %dma_wait3A_23 = arith.constant 0 : i32
        %dma_wait3A_24 = tpu.memref_slice %arg3[%scan3A_8, %dma_wait3A_23, %mul3A_2] : memref<200x32x16384xf32, #tpu.memory_space<hbm>> -> memref<1x32x512xf32, #tpu.memory_space<hbm>>
        %dma_wait3A_25 = tpu.memref_squeeze %dma_wait3A_24 : memref<1x32x512xf32, #tpu.memory_space<hbm>> -> memref<32x512xf32, #tpu.memory_space<hbm>>
        tpu.wait_dma2 semaphore(%run_scoped3A_15 : memref<!tpu.dma_semaphore, #tpu.memory_space<semaphore_mem>>) src(%arg5 : memref<32x512xf32, #tpu.memory_space<vmem>>) dst(%dma_wait3A_25 : memref<32x512xf32, #tpu.memory_space<hbm>>)
        tpu.yield
      }) : () -> ()
    }
    %scan3A_7 = arith.constant 200 : i32
    return
  }
}

</mosaic_0001>

<sc_bundles>
// kernel: kernel.3.cloned.1.call-start
scs
__scs_entry_jumppad:
0x0: {  	(pc) =	sbr.rel $0x88, $3  }
0x1: {  	(tag) =	ssettag $0x0;
	lr =	simm.s32 $0x1  }
0x2: {  	[smem:$0x3FA0] =	sst lr;
	_ =	strace $0xD0000000  }
0x3: {  	_ = 	snop  }
0x4: {  	_ = 	snop  }
0x5: {  	_ = 	snop  }
0x6: {  	_ = 	snop  }
0x7: {  	_ = 	snop  }
__scs_overlays_trampoline_lowered:
0x8: {  	[smem:$0x3FAF] =	sst s0  }
0x9: {  	[smem:$0x3FB0] =	sst s1  }
0xa: {  	[smem:$0x3FB1] =	sst s2  }
0xb: {  	[smem:$0x3FB2] =	sst s3  }
0xc: {  	[smem:$0x3FB3] =	sst s4  }
0xd: {  	[smem:$0x3FB4] =	sst s5  }
0xe: {  	[smem:$0x3FB5] =	sst s6  }
0xf: {  	[smem:$0x3FB6] =	sst s7  }
0x10: {  	[smem:$0x3FB7] =	sst s8  }
0x11: {  	[smem:$0x3FB8] =	sst s9;
	s0 =	simm.s32 @!p0 $0x0  }
0x12: {  	s1 =	sld [smem:$0x3F9E];
	s0 =	simm.s32 @p0 $0x1  }
0x13: {  	[smem:$0x3FB9] =	sst s0;
	s0 =	simm.s32 @!p1 $0x0  }
0x14: {  	s2 =	sld [smem:$0x3F9D];
	s0 =	simm.s32 @p1 $0x1  }
0x15: {  	[smem:$0x3FBA] =	sst s0;
	s0 =	simm.s32 @!p2 $0x0  }
0x16: {  	s3 =	sld [smem:$0x3FDB];
	s0 =	simm.s32 @p2 $0x1  }
0x17: {  	s4 =	simm.s32 $0x1BF5;
	[smem:$0x3FBC] =	sst s0  }
0x18: {  	s0 =	sld [smem:$0x3F9F];
	_ =	swait.ge [sflag:s4], $0x0  }
0x19: {  	s7 =	sld [smem:$0x3FA0]  }
0x1a: {  	s8 =	sadd.s32 $0xFFFFE003, lr  }
0x1b: {  	s9 =	sadd.s32 $0xFFFFFEF7, lr;
	s5 =	simm.s32 $0xFFFFFFFF;
	p2 =	slt.u32 s8, $0xFFFFF086  }
0x1c: {  	p1 =	slt.u32 s9, $0xF7A;
	s5 =	simm.s32 @!p2 $0x0  }
0x1d: {  	s5 =	simm.s32 @p1 $0x1;
	p0 =	seq.s32 s7, s2  }
0x1e: {  	s7 =	smul.u32 @!p0 $0xF7A, s2;
	p2 =	seq.s32 @!p0 s5, $0x0  }
0x1f: {  	s9 =	smul.u32 $0xF7A, s1;
	s8 =	simm.s32 @!p0 $0x1BF5;
	p2 =	por !p2, p0  }
0x20: {  	[sflag:s8] =	ssyncset.s32 @!p0 $0xFFFFF086;
	s6 =	sadd.s32 @!p0 s3, s7;
	s7 =	simm.s32 @!p0 $0x108  }
0x21: {  	s3 =	sadd.s32 s3, s9;
	s6 =	sadd.s32 @!p0 $0x88, s6;
	s7 =	simm.s32 @p2 $0x1082  }
0x22: {  	[simem:s7], [sflag:s8] =	dma.local @!p0 [hbm:s6], $0xF7A  }
0x23: {  	s9 =	sor.u32 $0xD0000000, s2;
	s6 =	simm.s32 $0x108;
	_ =	swait.ge @!p0 [sflag:s8], $0x0  }
0x24: {  	s3 =	sadd.s32 $0x88, s3;
	s6 =	simm.s32 @!p1 $0x1082;
	[sflag:s4] =	ssyncset.s32 $0xFFFFF086  }
0x25: {  	[simem:s6], [sflag:s4] =	dma.local [hbm:s3], $0xF7A  }
0x26: {  	[smem:$0x3FA0] =	sst s1;
	(tag) =	ssettag s2;
	_ =	strace s9  }
0x27: {  	s1 =	sld [smem:$0x3FB0]  }
0x28: {  	s2 =	sld [smem:$0x3FB1]  }
0x29: {  	s4 =	sld [smem:$0x3FB3]  }
0x2a: {  	p0 =	seq.s32 s5, $0x0;
	s5 =	sld [smem:$0x3FB4]  }
0x2b: {  	s6 =	sld [smem:$0x3FB5]  }
0x2c: {  	s7 =	sld [smem:$0x3FB6]  }
0x2d: {  	s3 =	simm.s32 $0x108;
	s8 =	sld [smem:$0x3FB7]  }
0x2e: {  	s3 =	simm.s32 @!p0 $0x1082;
	s9 =	sld [smem:$0x3FB8]  }
0x2f: {  	lr =	sadd.s32 s0, s3;
	s0 =	sld [smem:$0x3FAF]  }
0x30: {  	s3 =	sld [smem:$0x3FB2]  }
0x31: {  	[smem:$0x3FBB] =	sst s10  }
0x32: {  	s10 =	sld [smem:$0x3FB9];
	_ =	sdelay $0x3  }
0x33: {  	p0 =	seq.s32 s10, $0x1;
	s10 =	sld [smem:$0x3FBB];
	_ =	sdelay $0x3  }
0x34: {  	[smem:$0x3FBB] =	sst s10  }
0x35: {  	s10 =	sld [smem:$0x3FBA];
	_ =	sdelay $0x3  }
0x36: {  	p1 =	seq.s32 s10, $0x1;
	s10 =	sld [smem:$0x3FBB];
	_ =	sdelay $0x3  }
0x37: {  	[smem:$0x3FBB] =	sst s10  }
0x38: {  	s10 =	sld [smem:$0x3FBC]  }
0x39: {  	_ = 	snop;
	(pc) =	sbr.ind lr, $3  }
0x3a: {  	_ = 	snop  }
0x3b: {  	_ = 	snop  }
0x3c: {  	p2 =	seq.s32 s10, $0x1;
	s10 =	sld [smem:$0x3FBB]  }
0x3d: {  	_ =	shalt  }
0x3e: {  	_ =	shalt  }
0x3f: {  	_ =	shalt  }
0x40: {  	_ =	shalt  }
0x41: {  	_ =	shalt  }
0x42: {  	_ =	shalt  }
0x43: {  	_ =	shalt  }
0x44: {  	_ =	shalt  }
0x45: {  	_ =	shalt  }
0x46: {  	_ =	shalt  }
0x47: {  	_ =	shalt  }
0x48: {  	_ =	shalt  }
0x49: {  	_ =	shalt  }
0x4a: {  	_ =	shalt  }
0x4b: {  	_ =	shalt  }
0x4c: {  	_ =	shalt  }
0x4d: {  	_ =	shalt  }
0x4e: {  	_ =	shalt  }
0x4f: {  	_ =	shalt  }
0x50: {  	_ =	shalt  }
0x51: {  	_ =	shalt  }
0x52: {  	_ =	shalt  }
0x53: {  	_ =	shalt  }
0x54: {  	_ =	shalt  }
0x55: {  	_ =	shalt  }
0x56: {  	_ =	shalt  }
0x57: {  	_ =	shalt  }
0x58: {  	_ =	shalt  }
0x59: {  	_ =	shalt  }
0x5a: {  	_ =	shalt  }
0x5b: {  	_ =	shalt  }
0x5c: {  	_ =	shalt  }
0x5d: {  	_ =	shalt  }
0x5e: {  	_ =	shalt  }
0x5f: {  	_ =	shalt  }
0x60: {  	_ =	shalt  }
0x61: {  	_ =	shalt  }
0x62: {  	_ =	shalt  }
0x63: {  	_ =	shalt  }
0x64: {  	_ =	shalt  }
0x65: {  	_ =	shalt  }
0x66: {  	_ =	shalt  }
0x67: {  	_ =	shalt  }
0x68: {  	_ =	shalt  }
0x69: {  	_ =	shalt  }
0x6a: {  	_ =	shalt  }
0x6b: {  	_ =	shalt  }
0x6c: {  	_ =	shalt  }
0x6d: {  	_ =	shalt  }
0x6e: {  	_ =	shalt  }
0x6f: {  	_ =	shalt  }
0x70: {  	_ =	shalt  }
0x71: {  	_ =	shalt  }
0x72: {  	_ =	shalt  }
0x73: {  	_ =	shalt  }
0x74: {  	_ =	shalt  }
0x75: {  	_ =	shalt  }
0x76: {  	_ =	shalt  }
0x77: {  	_ =	shalt  }
0x78: {  	_ =	shalt  }
0x79: {  	_ =	shalt  }
0x7a: {  	_ =	shalt  }
0x7b: {  	_ =	shalt  }
0x7c: {  	_ =	shalt  }
0x7d: {  	_ =	shalt  }
0x7e: {  	_ =	shalt  }
0x7f: {  	_ =	shalt  }
0x80: {  	_ =	shalt  }
0x81: {  	_ =	shalt  }
0x82: {  	_ =	shalt  }
0x83: {  	_ =	shalt  }
0x84: {  	_ =	shalt  }
0x85: {  	_ =	shalt  }
0x86: {  	_ =	shalt  }
0x87: {  	_ =	shalt  }
.Lfunc_end0:
.L_simem_size_0:
called_computation.1_lowered:
.L_overlay_start_0:
0x88: {  	s2 =	sld [smem:$0x3FD9]  }
0x89: {  	s3 =	sld [smem:$0x3FFE];
	_ =	sdelay $0x1  }
0x8a: {  	s1 =	srdreg.scid  }
0x8b: {  	s0 =	sand.u32 $0x1, s1  }
0x8c: {  	s17 =	sshll.u32 s0, $0xA;
	s2 =	sadd.s32 s3, s2  }
0x8d: {  	s2 =	sadd.s32 s2, s17  }
0x8e: {  	[smem:$0x3FC7] =	sst s2  }
0x8f: {  	_ = 	snop  }
0x90: {  	s2 =	sld [smem:$0x3FD0];
	(tm) =	ssettm $0x1  }
0x91: {  	s18 =	sld [smem:$0x3FFB];
	_ =	sdelay $0x3  }
0x92: {  	_ =	strace s18  }
0x93: {  	s3 =	sld [smem:$0x3FFC];
	_ =	sdelay $0x3  }
0x94: {  	_ =	strace s3  }
0x95: {  	s3 =	sld [smem:$0x3FFD];
	_ =	sdelay $0x3  }
0x96: {  	_ =	strace s3  }
0x97: {  	_ =	strace $0x8FFFFFFF  }
0x98: {  	s19 =	sld [smem:$0x3FDB];
	_ =	sdelay $0x1  }
0x99: {  	s4 =	simm.s32 $_scs_section_size  }
0x9a: {  	s5 =	simm.s32 $_size__tile_overlayer_lowered;
	s6 =	simm.s32 $_tile_overlayer_lowered  }
0x9b: {  	s22 =	simm.s32 $0x1BFF;
	s21 =	sshll.u32 s6, $0x1;
	s3 =	sadd.s32 s4, s19  }
0x9c: {  	s7 =	simm.s32 $0x0;
	s20 =	sshll.u32 s5, $0x1;
	s5 =	sadd.s32 s21, s3  }
0x9d: {  	[timem:s7], [sflag:s22] =	dma.local [hbm:s5], s20  }
0x9e: {  	_ =	swait.ge [sflag:s22], s20  }
0x9f: {  	s4 =	ssub.s32 $0x0, s20;
	[sflag:s22] =	ssyncset.done $0x0  }
0xa0: {  	[sflag:s22] =	ssyncadd.s32 s4;
	_ =	sdelay $0x1  }
0xa1: {  	s23 =	simm.s32 $0x1B8B  }
0xa2: {  	_ =	swait.ge [sflag:s23], $0x1  }
0xa3: {  	[sflag:s23] =	ssyncset.done $0x0  }
0xa4: {  	s25 =	simm.s32 $0x1B8E;
	s24 =	sld [smem:$0x3FFE];
	[sflag:s23] =	ssyncadd.s32 $0xFFFFFFFF  }
0xa5: {  	s26 =	simm.s32 $execute0_lowered;
	[smem:$0x3FD2] =	sst s25  }
0xa6: {  	s5 =	sshll.u32 s26, $0x1;
	_ =	strace $0x80000049;
	[dreg:$0x1] =	wrdreg $0xFFFFFFFF  }
0xa7: {  	s28 =	simm.s32 $_size_execute0_lowered;
	s3 =	sadd.s32 s3, s5;
	[dreg:$0x0] =	wrdreg $0x0  }
0xa8: {  	s5 =	sshll.u32 s28, $0x1;
	[dreg:$0x2] =	wrdreg s3  }
0xa9: {  	[dreg:$0x3] =	wrdreg s5  }
0xaa: {  	[dreg:$0x4] =	wrdreg $0xC0  }
0xab: {  	_ =	task [dreg:s7], $0x5FFFF  }
0xac: {  	[dreg:$0x1] =	wrdreg $0xFFFFFFFF  }
0xad: {  	[dreg:$0x0] =	wrdreg $0x60  }
0xae: {  	[dreg:$0x2] =	wrdreg s2  }
0xaf: {  	[dreg:$0x3] =	wrdreg s24  }
0xb0: {  	[dreg:$0x4] =	wrdreg $0x9  }
0xb1: {  	_ =	task.clear_ibuf [dreg:s7], $0x5FFFF;
	_ =	strace $0x90000049  }
0xb2: {  	s29 =	simm.s32 $0x9;
	_ =	strace $0x8000004B  }
0xb3: {  	_ =	swait.ge [sflag:s29], $0x1  }
0xb4: {  	[sflag:s29] =	ssyncadd.s32 $0xFFFFFFFF  }
0xb5: {  	_ =	strace $0x9000004B  }
0xb6: {  	_ =	sfence  }
0xb7: {  	s30 =	sld [smem:$0x0];
	_ =	sdelay $0x2  }
0xb8: {  	s31 =	sshll.u32 s1, $0xD;
	s1 =	sshrl.u32 s1, $0x2  }
0xb9: {  	s3 =	sand.u32 $0x4000, s31;
	s1 =	sadd.s32 s1, s30  }
0xba: {  	s0 =	sor.u32 s3, s0;
	s1 =	sshll.u32 s1, $0x11  }
0xbb: {  	s0 =	sor.u32 s1, s0  }
0xbc: {  	s0 =	sadd.s32 $0x8F2B, s0  }
0xbd: {  	[sflag:s0] =	ssyncadd.remote.s32 $0x1  }
0xbe: {  	_ =	sfence.sel $0xFFFF  }
0xbf: {  	[dreg:$0x0] =	wrdreg $0xFFFFFFFF;
	(pc) =	sbr.abs _section_cstart, $3  }
0xc0: {  	[dreg:$0x1] =	wrdreg $0xFFFFFFFF  }
0xc1: {  	_ =	task.clear_ibuf [dreg:s7], $0x2FFFF;
	_ =	strace $0x9FFFFFFF  }
0xc2: {  	(tm) =	ssettm $0x7FFFFFFF  }
0xc3: {  	_ =	shalt  }
tec
execute0_lowered:
.L_overlay_start_1:
0x0: {  	(tag) =	ssettag $0x1  }
0x1: {  	s5 =	rddreg [dreg:$0x0]  }
0x2: {  	s2 =	rddreg [dreg:$0x1]  }
0x3: {  	s0 =	rddreg [dreg:$0x2]  }
0x4: {  	s1 =	simm.s32 $0x0;
	s3 =	srdreg.scid;
	s8 =	simm.s32 $0x4000  }
0x5: {  	s9 =	simm.s32 $0x200;
	[smem:$0x7FF] =	sst s1;
	s4 =	sand.u32 $0x1, s3  }
0x6: {  	s3 =	sadd.s32 $0x800, s2;
	s2 =	stileid.u32;
	s6 =	ssub.s32 $0x2, s4  }
0x7: {  	s5 =	sadd.s32 $0x3800, s5;
	_ =	strace $0x8000004A;
	s7 =	sshrl.u32 s6, $0x1  }
0x8: {  	s31 =	sshll.u32 s2, $0xA;
	s4 =	sshll.u32 s4, $0x9;
	s6 =	ssub.s32 s6, s7  }
0x9: {  	v0 =	vimm.f32 $0.0e+00;
	s4 =	sor.u32 s4, s31;
	s7 =	simm.s32 $0x1;
	s6 =	smax.u32 s6, $0x1  }
.LBB2_1:
0xa: {  	s10 =	simm.s32 $0x0  }
.LBB2_2:
0xb: {  	s11 =	sshll.u32 s10, $0x11  }
0xc: {  	s11 =	sor.u32 s4, s11  }
0xd: {  	s11 =	sshrl.u32 s11, $0x3  }
0xe: {  	s12 =	simm.s32 $0x0;
	s11 =	sadd.s32 s11, s5  }
0xf: {  	[tilespmem:s12], [sflag:$0x1] =	stream.linear.gather [hbm4b:s11+s12], $0x200, $0x38;
	[tilespmem:$0x4200] =	vst v63  }
0x10: {  	_ =	swait.ge [sflag:s7], $0x200  }
0x11: {  	[sflag:s7] =	ssyncset.done $0x0  }
0x12: {  	[sflag:s7] =	ssyncadd.s32 $0xFFFFFE00  }
0x13: {  	v1 =	vld [tilespmem:$0x0];
	_ =	sdelay $0x4  }
0x14: {  	v1 =	vtrunc.f32 v1  }
0x15: {  	v2 =	vcvt.f32.s32 v1  }
0x16: {  	v1 =	vmov s12  }
0x17: {  	vm0 =	veq.s32 v1, v2  }
0x18: {  	s11 =	simm.s32 $0x300;
	v2 =	vsel vm0, $0x3F800000, v0  }
0x19: {  	[tilespmem:s11+$0xFFFFFF00] =	vst v2  }
0x1a: {  	v2 =	vld [tilespmem:$0x10];
	_ =	sdelay $0x4  }
0x1b: {  	v2 =	vtrunc.f32 v2  }
0x1c: {  	v2 =	vcvt.f32.s32 v2;
	_ =	sdelay $0x1  }
0x1d: {  	vm9 =	veq.s32 v1, v2  }
0x1e: {  	v2 =	vsel vm9, $0x3F800000, v0  }
0x1f: {  	[tilespmem:s11+$0xFFFFFF10] =	vst v2  }
0x20: {  	v2 =	vld [tilespmem:$0x20];
	_ =	sdelay $0x4  }
0x21: {  	v2 =	vtrunc.f32 v2  }
0x22: {  	v2 =	vcvt.f32.s32 v2;
	_ =	sdelay $0x1  }
0x23: {  	vm10 =	veq.s32 v1, v2  }
0x24: {  	v2 =	vsel vm10, $0x3F800000, v0  }
0x25: {  	[tilespmem:s11+$0xFFFFFF20] =	vst v2  }
0x26: {  	v2 =	vld [tilespmem:$0x30];
	_ =	sdelay $0x4  }
0x27: {  	v2 =	vtrunc.f32 v2  }
0x28: {  	v2 =	vcvt.f32.s32 v2;
	_ =	sdelay $0x1  }
0x29: {  	vm11 =	veq.s32 v1, v2  }
0x2a: {  	v2 =	vsel vm11, $0x3F800000, v0  }
0x2b: {  	[tilespmem:s11+$0xFFFFFF30] =	vst v2  }
0x2c: {  	v2 =	vld [tilespmem:$0x40];
	_ =	sdelay $0x4  }
0x2d: {  	v2 =	vtrunc.f32 v2  }
0x2e: {  	v2 =	vcvt.f32.s32 v2;
	_ =	sdelay $0x1  }
0x2f: {  	vm12 =	veq.s32 v1, v2  }
0x30: {  	v2 =	vsel vm12, $0x3F800000, v0  }
0x31: {  	[tilespmem:s11+$0xFFFFFF40] =	vst v2  }
0x32: {  	v2 =	vld [tilespmem:$0x50];
	_ =	sdelay $0x4  }
0x33: {  	v2 =	vtrunc.f32 v2  }
0x34: {  	v2 =	vcvt.f32.s32 v2;
	_ =	sdelay $0x1  }
0x35: {  	vm13 =	veq.s32 v1, v2  }
0x36: {  	v2 =	vsel vm13, $0x3F800000, v0  }
0x37: {  	[tilespmem:s11+$0xFFFFFF50] =	vst v2  }
0x38: {  	v2 =	vld [tilespmem:$0x60];
	_ =	sdelay $0x4  }
0x39: {  	v2 =	vtrunc.f32 v2  }
0x3a: {  	v2 =	vcvt.f32.s32 v2;
	_ =	sdelay $0x1  }
0x3b: {  	vm14 =	veq.s32 v1, v2  }
0x3c: {  	v2 =	vsel vm14, $0x3F800000, v0  }
0x3d: {  	[tilespmem:s11+$0xFFFFFF60] =	vst v2  }
0x3e: {  	v2 =	vld [tilespmem:$0x70];
	_ =	sdelay $0x4  }
0x3f: {  	v2 =	vtrunc.f32 v2  }
0x40: {  	v2 =	vcvt.f32.s32 v2;
	_ =	sdelay $0x1  }
0x41: {  	vm15 =	veq.s32 v1, v2  }
0x42: {  	v2 =	vsel vm15, $0x3F800000, v0  }
0x43: {  	[tilespmem:s11+$0xFFFFFF70] =	vst v2  }
0x44: {  	v2 =	vld [tilespmem:$0x80];
	_ =	sdelay $0x4  }
0x45: {  	v2 =	vtrunc.f32 v2  }
0x46: {  	v2 =	vcvt.f32.s32 v2;
	_ =	sdelay $0x1  }
0x47: {  	vm4 =	veq.s32 v1, v2  }
0x48: {  	v2 =	vsel vm4, $0x3F800000, v0  }
0x49: {  	[tilespmem:s11+$0xFFFFFF80] =	vst v2  }
0x4a: {  	v2 =	vld [tilespmem:$0x90];
	_ =	sdelay $0x4  }
0x4b: {  	v2 =	vtrunc.f32 v2  }
0x4c: {  	v2 =	vcvt.f32.s32 v2;
	_ =	sdelay $0x1  }
0x4d: {  	vm5 =	veq.s32 v1, v2  }
0x4e: {  	v2 =	vsel vm5, $0x3F800000, v0  }
0x4f: {  	[tilespmem:s11+$0xFFFFFF90] =	vst v2  }
0x50: {  	v2 =	vld [tilespmem:$0xA0];
	_ =	sdelay $0x4  }
0x51: {  	v2 =	vtrunc.f32 v2  }
0x52: {  	v2 =	vcvt.f32.s32 v2;
	_ =	sdelay $0x1  }
0x53: {  	vm6 =	veq.s32 v1, v2  }
0x54: {  	v2 =	vsel vm6, $0x3F800000, v0  }
0x55: {  	[tilespmem:s11+$0xFFFFFFA0] =	vst v2  }
0x56: {  	v2 =	vld [tilespmem:$0xB0];
	_ =	sdelay $0x4  }
0x57: {  	v2 =	vtrunc.f32 v2  }
0x58: {  	v2 =	vcvt.f32.s32 v2;
	_ =	sdelay $0x1  }
0x59: {  	vm7 =	veq.s32 v1, v2  }
0x5a: {  	v2 =	vsel vm7, $0x3F800000, v0  }
0x5b: {  	[tilespmem:s11+$0xFFFFFFB0] =	vst v2  }
0x5c: {  	v2 =	vld [tilespmem:$0xC0];
	_ =	sdelay $0x4  }
0x5d: {  	v2 =	vtrunc.f32 v2  }
0x5e: {  	v2 =	vcvt.f32.s32 v2;
	_ =	sdelay $0x1  }
0x5f: {  	vm8 =	veq.s32 v1, v2  }
0x60: {  	v2 =	vsel vm8, $0x3F800000, v0  }
0x61: {  	[tilespmem:s11+$0xFFFFFFC0] =	vst v2  }
0x62: {  	v2 =	vld [tilespmem:$0xD0];
	_ =	sdelay $0x4  }
0x63: {  	v2 =	vtrunc.f32 v2  }
0x64: {  	v2 =	vcvt.f32.s32 v2;
	_ =	sdelay $0x1  }
0x65: {  	vm9 =	veq.s32 v1, v2  }
0x66: {  	v2 =	vsel vm9, $0x3F800000, v0  }
0x67: {  	[tilespmem:s11+$0xFFFFFFD0] =	vst v2  }
0x68: {  	v2 =	vld [tilespmem:$0xE0];
	_ =	sdelay $0x4  }
0x69: {  	v2 =	vtrunc.f32 v2  }
0x6a: {  	v2 =	vcvt.f32.s32 v2;
	_ =	sdelay $0x1  }
0x6b: {  	vm10 =	veq.s32 v1, v2  }
0x6c: {  	v2 =	vsel vm10, $0x3F800000, v0  }
0x6d: {  	[tilespmem:s11+$0xFFFFFFE0] =	vst v2  }
0x6e: {  	v2 =	vld [tilespmem:$0xF0];
	_ =	sdelay $0x4  }
0x6f: {  	v2 =	vtrunc.f32 v2  }
0x70: {  	v2 =	vcvt.f32.s32 v2;
	_ =	sdelay $0x1  }
0x71: {  	vm11 =	veq.s32 v1, v2  }
0x72: {  	v2 =	vsel vm11, $0x3F800000, v0  }
0x73: {  	[tilespmem:s11+$0xFFFFFFF0] =	vst v2  }
0x74: {  	v2 =	vld [tilespmem:$0x100];
	_ =	sdelay $0x4  }
0x75: {  	v2 =	vtrunc.f32 v2  }
0x76: {  	v2 =	vcvt.f32.s32 v2;
	_ =	sdelay $0x1  }
0x77: {  	vm12 =	veq.s32 v1, v2  }
0x78: {  	v2 =	vsel vm12, $0x3F800000, v0  }
0x79: {  	[tilespmem:s11+$0x0] =	vst v2  }
0x7a: {  	v2 =	vld [tilespmem:$0x110];
	_ =	sdelay $0x4  }
0x7b: {  	v2 =	vtrunc.f32 v2  }
0x7c: {  	v2 =	vcvt.f32.s32 v2;
	_ =	sdelay $0x1  }
0x7d: {  	vm13 =	veq.s32 v1, v2  }
0x7e: {  	v2 =	vsel vm13, $0x3F800000, v0  }
0x7f: {  	[tilespmem:s11+$0x10] =	vst v2  }
0x80: {  	v2 =	vld [tilespmem:$0x120];
	_ =	sdelay $0x4  }
0x81: {  	v2 =	vtrunc.f32 v2  }
0x82: {  	v2 =	vcvt.f32.s32 v2;
	_ =	sdelay $0x1  }
0x83: {  	vm14 =	veq.s32 v1, v2  }
0x84: {  	v2 =	vsel vm14, $0x3F800000, v0  }
0x85: {  	[tilespmem:s11+$0x20] =	vst v2  }
0x86: {  	v2 =	vld [tilespmem:$0x130];
	_ =	sdelay $0x4  }
0x87: {  	v2 =	vtrunc.f32 v2  }
0x88: {  	v2 =	vcvt.f32.s32 v2;
	_ =	sdelay $0x1  }
0x89: {  	vm15 =	veq.s32 v1, v2  }
0x8a: {  	v2 =	vsel vm15, $0x3F800000, v0  }
0x8b: {  	[tilespmem:s11+$0x30] =	vst v2  }
0x8c: {  	v2 =	vld [tilespmem:$0x140];
	_ =	sdelay $0x4  }
0x8d: {  	v2 =	vtrunc.f32 v2  }
0x8e: {  	v2 =	vcvt.f32.s32 v2;
	_ =	sdelay $0x1  }
0x8f: {  	vm4 =	veq.s32 v1, v2  }
0x90: {  	v2 =	vsel vm4, $0x3F800000, v0  }
0x91: {  	[tilespmem:s11+$0x40] =	vst v2  }
0x92: {  	v2 =	vld [tilespmem:$0x150];
	_ =	sdelay $0x4  }
0x93: {  	v2 =	vtrunc.f32 v2  }
0x94: {  	v2 =	vcvt.f32.s32 v2;
	_ =	sdelay $0x1  }
0x95: {  	vm5 =	veq.s32 v1, v2  }
0x96: {  	v2 =	vsel vm5, $0x3F800000, v0  }
0x97: {  	[tilespmem:s11+$0x50] =	vst v2  }
0x98: {  	v2 =	vld [tilespmem:$0x160];
	_ =	sdelay $0x4  }
0x99: {  	v2 =	vtrunc.f32 v2  }
0x9a: {  	v2 =	vcvt.f32.s32 v2;
	_ =	sdelay $0x1  }
0x9b: {  	vm6 =	veq.s32 v1, v2  }
0x9c: {  	v2 =	vsel vm6, $0x3F800000, v0  }
0x9d: {  	[tilespmem:s11+$0x60] =	vst v2  }
0x9e: {  	v2 =	vld [tilespmem:$0x170];
	_ =	sdelay $0x4  }
0x9f: {  	v2 =	vtrunc.f32 v2  }
0xa0: {  	v2 =	vcvt.f32.s32 v2;
	_ =	sdelay $0x1  }
0xa1: {  	vm7 =	veq.s32 v1, v2  }
0xa2: {  	v2 =	vsel vm7, $0x3F800000, v0  }
0xa3: {  	[tilespmem:s11+$0x70] =	vst v2  }
0xa4: {  	v2 =	vld [tilespmem:$0x180];
	_ =	sdelay $0x4  }
0xa5: {  	v2 =	vtrunc.f32 v2  }
0xa6: {  	v2 =	vcvt.f32.s32 v2;
	_ =	sdelay $0x1  }
0xa7: {  	vm8 =	veq.s32 v1, v2  }
0xa8: {  	v2 =	vsel vm8, $0x3F800000, v0  }
0xa9: {  	[tilespmem:s11+$0x80] =	vst v2  }
0xaa: {  	v2 =	vld [tilespmem:$0x190];
	_ =	sdelay $0x4  }
0xab: {  	v2 =	vtrunc.f32 v2  }
0xac: {  	v2 =	vcvt.f32.s32 v2;
	_ =	sdelay $0x1  }
0xad: {  	vm9 =	veq.s32 v1, v2  }
0xae: {  	v2 =	vsel vm9, $0x3F800000, v0  }
0xaf: {  	[tilespmem:s11+$0x90] =	vst v2  }
0xb0: {  	v2 =	vld [tilespmem:$0x1A0];
	_ =	sdelay $0x4  }
0xb1: {  	v2 =	vtrunc.f32 v2  }
0xb2: {  	v2 =	vcvt.f32.s32 v2;
	_ =	sdelay $0x1  }
0xb3: {  	vm10 =	veq.s32 v1, v2  }
0xb4: {  	v2 =	vsel vm10, $0x3F800000, v0  }
0xb5: {  	[tilespmem:s11+$0xA0] =	vst v2  }
0xb6: {  	v2 =	vld [tilespmem:$0x1B0];
	_ =	sdelay $0x4  }
0xb7: {  	v2 =	vtrunc.f32 v2  }
0xb8: {  	v2 =	vcvt.f32.s32 v2;
	_ =	sdelay $0x1  }
0xb9: {  	vm11 =	veq.s32 v1, v2  }
0xba: {  	v2 =	vsel vm11, $0x3F800000, v0  }
0xbb: {  	[tilespmem:s11+$0xB0] =	vst v2  }
0xbc: {  	v2 =	vld [tilespmem:$0x1C0];
	_ =	sdelay $0x4  }
0xbd: {  	v2 =	vtrunc.f32 v2  }
0xbe: {  	v2 =	vcvt.f32.s32 v2;
	_ =	sdelay $0x1  }
0xbf: {  	vm12 =	veq.s32 v1, v2  }
0xc0: {  	v2 =	vsel vm12, $0x3F800000, v0  }
0xc1: {  	[tilespmem:s11+$0xC0] =	vst v2  }
0xc2: {  	v2 =	vld [tilespmem:$0x1D0];
	_ =	sdelay $0x4  }
0xc3: {  	v2 =	vtrunc.f32 v2  }
0xc4: {  	v2 =	vcvt.f32.s32 v2;
	_ =	sdelay $0x1  }
0xc5: {  	vm13 =	veq.s32 v1, v2  }
0xc6: {  	v2 =	vsel vm13, $0x3F800000, v0  }
0xc7: {  	[tilespmem:s11+$0xD0] =	vst v2  }
0xc8: {  	v2 =	vld [tilespmem:$0x1E0];
	_ =	sdelay $0x4  }
0xc9: {  	v2 =	vtrunc.f32 v2  }
0xca: {  	v2 =	vcvt.f32.s32 v2;
	_ =	sdelay $0x1  }
0xcb: {  	vm14 =	veq.s32 v1, v2  }
0xcc: {  	v2 =	vsel vm14, $0x3F800000, v0  }
0xcd: {  	[tilespmem:s11+$0xE0] =	vst v2  }
0xce: {  	v2 =	vld [tilespmem:$0x1F0];
	_ =	sdelay $0x4  }
0xcf: {  	v2 =	vtrunc.f32 v2  }
0xd0: {  	v2 =	vcvt.f32.s32 v2;
	_ =	sdelay $0x1  }
0xd1: {  	vm15 =	veq.s32 v1, v2  }
0xd2: {  	v1 =	vsel vm15, $0x3F800000, v0  }
0xd3: {  	[tilespmem:s11+$0xF0] =	vst v1  }
0xd4: {  	s13 =	simm.s32 $0x2;
	s12 =	simm.s32 $0x1;
	v1 =	vld [tilespmem:$0x0]  }
.LBB2_3:
0xd5: {  	p0 =	sne.s32 s13, $0x1F;
	_ =	sdelay $0x3  }
0xd6: {  	v1 =	vtrunc.f32 v1  }
0xd7: {  	v2 =	vcvt.f32.s32 v1  }
0xd8: {  	v1 =	vmov s12;
	s12 =	smov.u32 s13  }
0xd9: {  	vm0 =	veq.s32 v1, v2  }
0xda: {  	s11 =	sadd.s32 $0x200, s11;
	v2 =	vsel vm0, $0x3F800000, v0  }
0xdb: {  	[tilespmem:s11+$0xFFFFFF00] =	vst v2  }
0xdc: {  	v2 =	vld [tilespmem:$0x10];
	_ =	sdelay $0x4  }
0xdd: {  	v2 =	vtrunc.f32 v2  }
0xde: {  	v2 =	vcvt.f32.s32 v2;
	_ =	sdelay $0x1  }
0xdf: {  	vm0 =	veq.s32 v1, v2  }
0xe0: {  	v2 =	vsel vm0, $0x3F800000, v0  }
0xe1: {  	[tilespmem:s11+$0xFFFFFF10] =	vst v2  }
0xe2: {  	v2 =	vld [tilespmem:$0x20];
	_ =	sdelay $0x4  }
0xe3: {  	v2 =	vtrunc.f32 v2  }
0xe4: {  	v2 =	vcvt.f32.s32 v2;
	_ =	sdelay $0x1  }
0xe5: {  	vm0 =	veq.s32 v1, v2  }
0xe6: {  	v2 =	vsel vm0, $0x3F800000, v0  }
0xe7: {  	[tilespmem:s11+$0xFFFFFF20] =	vst v2  }
0xe8: {  	v2 =	vld [tilespmem:$0x30];
	_ =	sdelay $0x4  }
0xe9: {  	v2 =	vtrunc.f32 v2  }
0xea: {  	v2 =	vcvt.f32.s32 v2;
	_ =	sdelay $0x1  }
0xeb: {  	vm0 =	veq.s32 v1, v2  }
0xec: {  	v2 =	vsel vm0, $0x3F800000, v0  }
0xed: {  	[tilespmem:s11+$0xFFFFFF30] =	vst v2  }
0xee: {  	v2 =	vld [tilespmem:$0x40];
	_ =	sdelay $0x4  }
0xef: {  	v2 =	vtrunc.f32 v2  }
0xf0: {  	v2 =	vcvt.f32.s32 v2;
	_ =	sdelay $0x1  }
0xf1: {  	vm0 =	veq.s32 v1, v2  }
0xf2: {  	v2 =	vsel vm0, $0x3F800000, v0  }
0xf3: {  	[tilespmem:s11+$0xFFFFFF40] =	vst v2  }
0xf4: {  	v2 =	vld [tilespmem:$0x50];
	_ =	sdelay $0x4  }
0xf5: {  	v2 =	vtrunc.f32 v2  }
0xf6: {  	v2 =	vcvt.f32.s32 v2;
	_ =	sdelay $0x1  }
0xf7: {  	vm0 =	veq.s32 v1, v2  }
0xf8: {  	v2 =	vsel vm0, $0x3F800000, v0  }
0xf9: {  	[tilespmem:s11+$0xFFFFFF50] =	vst v2  }
0xfa: {  	v2 =	vld [tilespmem:$0x60];
	_ =	sdelay $0x4  }
0xfb: {  	v2 =	vtrunc.f32 v2  }
0xfc: {  	v2 =	vcvt.f32.s32 v2;
	_ =	sdelay $0x1  }
0xfd: {  	vm0 =	veq.s32 v1, v2  }
0xfe: {  	v2 =	vsel vm0, $0x3F800000, v0  }
0xff: {  	[tilespmem:s11+$0xFFFFFF60] =	vst v2  }
0x100: {  	v2 =	vld [tilespmem:$0x70];
	_ =	sdelay $0x4  }
0x101: {  	v2 =	vtrunc.f32 v2  }
0x102: {  	v2 =	vcvt.f32.s32 v2;
	_ =	sdelay $0x1  }
0x103: {  	vm0 =	veq.s32 v1, v2  }
0x104: {  	v2 =	vsel vm0, $0x3F800000, v0  }
0x105: {  	[tilespmem:s11+$0xFFFFFF70] =	vst v2  }
0x106: {  	v2 =	vld [tilespmem:$0x80];
	_ =	sdelay $0x4  }
0x107: {  	v2 =	vtrunc.f32 v2  }
0x108: {  	v2 =	vcvt.f32.s32 v2;
	_ =	sdelay $0x1  }
0x109: {  	vm0 =	veq.s32 v1, v2  }
0x10a: {  	v2 =	vsel vm0, $0x3F800000, v0  }
0x10b: {  	[tilespmem:s11+$0xFFFFFF80] =	vst v2  }
0x10c: {  	v2 =	vld [tilespmem:$0x90];
	_ =	sdelay $0x4  }
0x10d: {  	v2 =	vtrunc.f32 v2  }
0x10e: {  	v2 =	vcvt.f32.s32 v2;
	_ =	sdelay $0x1  }
0x10f: {  	vm0 =	veq.s32 v1, v2  }
0x110: {  	v2 =	vsel vm0, $0x3F800000, v0  }
0x111: {  	[tilespmem:s11+$0xFFFFFF90] =	vst v2  }
0x112: {  	v2 =	vld [tilespmem:$0xA0];
	_ =	sdelay $0x4  }
0x113: {  	v2 =	vtrunc.f32 v2  }
0x114: {  	v2 =	vcvt.f32.s32 v2;
	_ =	sdelay $0x1  }
0x115: {  	vm0 =	veq.s32 v1, v2  }
0x116: {  	v2 =	vsel vm0, $0x3F800000, v0  }
0x117: {  	[tilespmem:s11+$0xFFFFFFA0] =	vst v2  }
0x118: {  	v2 =	vld [tilespmem:$0xB0];
	_ =	sdelay $0x4  }
0x119: {  	v2 =	vtrunc.f32 v2  }
0x11a: {  	v2 =	vcvt.f32.s32 v2;
	_ =	sdelay $0x1  }
0x11b: {  	vm0 =	veq.s32 v1, v2  }
0x11c: {  	v2 =	vsel vm0, $0x3F800000, v0  }
0x11d: {  	[tilespmem:s11+$0xFFFFFFB0] =	vst v2  }
0x11e: {  	v2 =	vld [tilespmem:$0xC0];
	_ =	sdelay $0x4  }
0x11f: {  	v2 =	vtrunc.f32 v2  }
0x120: {  	v2 =	vcvt.f32.s32 v2;
	_ =	sdelay $0x1  }
0x121: {  	vm0 =	veq.s32 v1, v2  }
0x122: {  	v2 =	vsel vm0, $0x3F800000, v0  }
0x123: {  	[tilespmem:s11+$0xFFFFFFC0] =	vst v2  }
0x124: {  	v2 =	vld [tilespmem:$0xD0];
	_ =	sdelay $0x4  }
0x125: {  	v2 =	vtrunc.f32 v2  }
0x126: {  	v2 =	vcvt.f32.s32 v2;
	_ =	sdelay $0x1  }
0x127: {  	vm0 =	veq.s32 v1, v2  }
0x128: {  	v2 =	vsel vm0, $0x3F800000, v0  }
0x129: {  	[tilespmem:s11+$0xFFFFFFD0] =	vst v2  }
0x12a: {  	v2 =	vld [tilespmem:$0xE0];
	_ =	sdelay $0x4  }
0x12b: {  	v2 =	vtrunc.f32 v2  }
0x12c: {  	v2 =	vcvt.f32.s32 v2;
	_ =	sdelay $0x1  }
0x12d: {  	vm0 =	veq.s32 v1, v2  }
0x12e: {  	v2 =	vsel vm0, $0x3F800000, v0  }
0x12f: {  	[tilespmem:s11+$0xFFFFFFE0] =	vst v2  }
0x130: {  	v2 =	vld [tilespmem:$0xF0];
	_ =	sdelay $0x4  }
0x131: {  	v2 =	vtrunc.f32 v2  }
0x132: {  	v2 =	vcvt.f32.s32 v2;
	_ =	sdelay $0x1  }
0x133: {  	vm0 =	veq.s32 v1, v2  }
0x134: {  	v2 =	vsel vm0, $0x3F800000, v0  }
0x135: {  	[tilespmem:s11+$0xFFFFFFF0] =	vst v2  }
0x136: {  	v2 =	vld [tilespmem:$0x100];
	_ =	sdelay $0x4  }
0x137: {  	v2 =	vtrunc.f32 v2  }
0x138: {  	v2 =	vcvt.f32.s32 v2;
	_ =	sdelay $0x1  }
0x139: {  	vm0 =	veq.s32 v1, v2  }
0x13a: {  	v2 =	vsel vm0, $0x3F800000, v0  }
0x13b: {  	[tilespmem:s11+$0x0] =	vst v2  }
0x13c: {  	v2 =	vld [tilespmem:$0x110];
	_ =	sdelay $0x4  }
0x13d: {  	v2 =	vtrunc.f32 v2  }
0x13e: {  	v2 =	vcvt.f32.s32 v2;
	_ =	sdelay $0x1  }
0x13f: {  	vm0 =	veq.s32 v1, v2  }
0x140: {  	v2 =	vsel vm0, $0x3F800000, v0  }
0x141: {  	[tilespmem:s11+$0x10] =	vst v2  }
0x142: {  	v2 =	vld [tilespmem:$0x120];
	_ =	sdelay $0x4  }
0x143: {  	v2 =	vtrunc.f32 v2  }
0x144: {  	v2 =	vcvt.f32.s32 v2;
	_ =	sdelay $0x1  }
0x145: {  	vm0 =	veq.s32 v1, v2  }
0x146: {  	v2 =	vsel vm0, $0x3F800000, v0  }
0x147: {  	[tilespmem:s11+$0x20] =	vst v2  }
0x148: {  	v2 =	vld [tilespmem:$0x130];
	_ =	sdelay $0x4  }
0x149: {  	v2 =	vtrunc.f32 v2  }
0x14a: {  	v2 =	vcvt.f32.s32 v2;
	_ =	sdelay $0x1  }
0x14b: {  	vm0 =	veq.s32 v1, v2  }
0x14c: {  	v2 =	vsel vm0, $0x3F800000, v0  }
0x14d: {  	[tilespmem:s11+$0x30] =	vst v2  }
0x14e: {  	v2 =	vld [tilespmem:$0x140];
	_ =	sdelay $0x4  }
0x14f: {  	v2 =	vtrunc.f32 v2  }
0x150: {  	v2 =	vcvt.f32.s32 v2;
	_ =	sdelay $0x1  }
0x151: {  	vm0 =	veq.s32 v1, v2  }
0x152: {  	v2 =	vsel vm0, $0x3F800000, v0  }
0x153: {  	[tilespmem:s11+$0x40] =	vst v2  }
0x154: {  	v2 =	vld [tilespmem:$0x150];
	_ =	sdelay $0x4  }
0x155: {  	v2 =	vtrunc.f32 v2  }
0x156: {  	v2 =	vcvt.f32.s32 v2;
	_ =	sdelay $0x1  }
0x157: {  	vm0 =	veq.s32 v1, v2  }
0x158: {  	v2 =	vsel vm0, $0x3F800000, v0  }
0x159: {  	[tilespmem:s11+$0x50] =	vst v2  }
0x15a: {  	v2 =	vld [tilespmem:$0x160];
	_ =	sdelay $0x4  }
0x15b: {  	v2 =	vtrunc.f32 v2  }
0x15c: {  	v2 =	vcvt.f32.s32 v2;
	_ =	sdelay $0x1  }
0x15d: {  	vm0 =	veq.s32 v1, v2  }
0x15e: {  	v2 =	vsel vm0, $0x3F800000, v0  }
0x15f: {  	[tilespmem:s11+$0x60] =	vst v2  }
0x160: {  	v2 =	vld [tilespmem:$0x170];
	_ =	sdelay $0x4  }
0x161: {  	v2 =	vtrunc.f32 v2  }
0x162: {  	v2 =	vcvt.f32.s32 v2;
	_ =	sdelay $0x1  }
0x163: {  	vm0 =	veq.s32 v1, v2  }
0x164: {  	v2 =	vsel vm0, $0x3F800000, v0  }
0x165: {  	[tilespmem:s11+$0x70] =	vst v2  }
0x166: {  	v2 =	vld [tilespmem:$0x180];
	_ =	sdelay $0x4  }
0x167: {  	v2 =	vtrunc.f32 v2  }
0x168: {  	v2 =	vcvt.f32.s32 v2;
	_ =	sdelay $0x1  }
0x169: {  	vm0 =	veq.s32 v1, v2  }
0x16a: {  	v2 =	vsel vm0, $0x3F800000, v0  }
0x16b: {  	[tilespmem:s11+$0x80] =	vst v2  }
0x16c: {  	v2 =	vld [tilespmem:$0x190];
	_ =	sdelay $0x4  }
0x16d: {  	v2 =	vtrunc.f32 v2  }
0x16e: {  	v2 =	vcvt.f32.s32 v2;
	_ =	sdelay $0x1  }
0x16f: {  	vm0 =	veq.s32 v1, v2  }
0x170: {  	v2 =	vsel vm0, $0x3F800000, v0  }
0x171: {  	[tilespmem:s11+$0x90] =	vst v2  }
0x172: {  	v2 =	vld [tilespmem:$0x1A0];
	_ =	sdelay $0x4  }
0x173: {  	v2 =	vtrunc.f32 v2  }
0x174: {  	v2 =	vcvt.f32.s32 v2;
	_ =	sdelay $0x1  }
0x175: {  	vm0 =	veq.s32 v1, v2  }
0x176: {  	v2 =	vsel vm0, $0x3F800000, v0  }
0x177: {  	[tilespmem:s11+$0xA0] =	vst v2  }
0x178: {  	v2 =	vld [tilespmem:$0x1B0];
	_ =	sdelay $0x4  }
0x179: {  	v2 =	vtrunc.f32 v2  }
0x17a: {  	v2 =	vcvt.f32.s32 v2;
	_ =	sdelay $0x1  }
0x17b: {  	vm0 =	veq.s32 v1, v2  }
0x17c: {  	v2 =	vsel vm0, $0x3F800000, v0  }
0x17d: {  	[tilespmem:s11+$0xB0] =	vst v2  }
0x17e: {  	v2 =	vld [tilespmem:$0x1C0];
	_ =	sdelay $0x4  }
0x17f: {  	v2 =	vtrunc.f32 v2  }
0x180: {  	v2 =	vcvt.f32.s32 v2;
	_ =	sdelay $0x1  }
0x181: {  	vm0 =	veq.s32 v1, v2  }
0x182: {  	v2 =	vsel vm0, $0x3F800000, v0  }
0x183: {  	[tilespmem:s11+$0xC0] =	vst v2  }
0x184: {  	v2 =	vld [tilespmem:$0x1D0];
	_ =	sdelay $0x4  }
0x185: {  	v2 =	vtrunc.f32 v2  }
0x186: {  	v2 =	vcvt.f32.s32 v2;
	_ =	sdelay $0x1  }
0x187: {  	vm0 =	veq.s32 v1, v2  }
0x188: {  	v2 =	vsel vm0, $0x3F800000, v0  }
0x189: {  	[tilespmem:s11+$0xD0] =	vst v2  }
0x18a: {  	v2 =	vld [tilespmem:$0x1E0];
	_ =	sdelay $0x4  }
0x18b: {  	v2 =	vtrunc.f32 v2  }
0x18c: {  	v2 =	vcvt.f32.s32 v2;
	_ =	sdelay $0x1  }
0x18d: {  	vm0 =	veq.s32 v1, v2  }
0x18e: {  	v2 =	vsel vm0, $0x3F800000, v0  }
0x18f: {  	[tilespmem:s11+$0xE0] =	vst v2  }
0x190: {  	v2 =	vld [tilespmem:$0x1F0];
	_ =	sdelay $0x4  }
0x191: {  	v2 =	vtrunc.f32 v2  }
0x192: {  	v2 =	vcvt.f32.s32 v2  }
.Ltmp0:
0x193: {  	(pc) =	sbr.rel @p0 .LBB2_3-.Ltmp0, $4  }
0x194: {  	vm0 =	veq.s32 v1, v2  }
0x195: {  	v1 =	vsel vm0, $0x3F800000, v0  }
0x196: {  	[tilespmem:s11+$0xF0] =	vst v1  }
0x197: {  	s13 =	sadd.s32 $0x1, s13;
	v1 =	vld [tilespmem:$0x0]  }
0x198: {  	_ =	sdelay $0x3  }
0x199: {  	v1 =	vtrunc.f32 v1  }
0x19a: {  	v2 =	vcvt.f32.s32 v1  }
0x19b: {  	v1 =	vmov s12  }
0x19c: {  	vm0 =	veq.s32 v1, v2  }
0x19d: {  	s11 =	sadd.s32 $0x200, s11;
	v2 =	vsel vm0, $0x3F800000, v0  }
0x19e: {  	[tilespmem:s11+$0xFFFFFF00] =	vst v2  }
0x19f: {  	v2 =	vld [tilespmem:$0x10];
	_ =	sdelay $0x4  }
0x1a0: {  	v2 =	vtrunc.f32 v2  }
0x1a1: {  	v2 =	vcvt.f32.s32 v2;
	_ =	sdelay $0x1  }
0x1a2: {  	vm9 =	veq.s32 v1, v2  }
0x1a3: {  	v2 =	vsel vm9, $0x3F800000, v0  }
0x1a4: {  	[tilespmem:s11+$0xFFFFFF10] =	vst v2  }
0x1a5: {  	v2 =	vld [tilespmem:$0x20];
	_ =	sdelay $0x4  }
0x1a6: {  	v2 =	vtrunc.f32 v2  }
0x1a7: {  	v2 =	vcvt.f32.s32 v2;
	_ =	sdelay $0x1  }
0x1a8: {  	vm10 =	veq.s32 v1, v2  }
0x1a9: {  	v2 =	vsel vm10, $0x3F800000, v0  }
0x1aa: {  	[tilespmem:s11+$0xFFFFFF20] =	vst v2  }
0x1ab: {  	v2 =	vld [tilespmem:$0x30];
	_ =	sdelay $0x4  }
0x1ac: {  	v2 =	vtrunc.f32 v2  }
0x1ad: {  	v2 =	vcvt.f32.s32 v2;
	_ =	sdelay $0x1  }
0x1ae: {  	vm11 =	veq.s32 v1, v2  }
0x1af: {  	v2 =	vsel vm11, $0x3F800000, v0  }
0x1b0: {  	[tilespmem:s11+$0xFFFFFF30] =	vst v2  }
0x1b1: {  	v2 =	vld [tilespmem:$0x40];
	_ =	sdelay $0x4  }
0x1b2: {  	v2 =	vtrunc.f32 v2  }
0x1b3: {  	v2 =	vcvt.f32.s32 v2;
	_ =	sdelay $0x1  }
0x1b4: {  	vm12 =	veq.s32 v1, v2  }
0x1b5: {  	v2 =	vsel vm12, $0x3F800000, v0  }
0x1b6: {  	[tilespmem:s11+$0xFFFFFF40] =	vst v2  }
0x1b7: {  	v2 =	vld [tilespmem:$0x50];
	_ =	sdelay $0x4  }
0x1b8: {  	v2 =	vtrunc.f32 v2  }
0x1b9: {  	v2 =	vcvt.f32.s32 v2;
	_ =	sdelay $0x1  }
0x1ba: {  	vm13 =	veq.s32 v1, v2  }
0x1bb: {  	v2 =	vsel vm13, $0x3F800000, v0  }
0x1bc: {  	[tilespmem:s11+$0xFFFFFF50] =	vst v2  }
0x1bd: {  	v2 =	vld [tilespmem:$0x60];
	_ =	sdelay $0x4  }
0x1be: {  	v2 =	vtrunc.f32 v2  }
0x1bf: {  	v2 =	vcvt.f32.s32 v2;
	_ =	sdelay $0x1  }
0x1c0: {  	vm14 =	veq.s32 v1, v2  }
0x1c1: {  	v2 =	vsel vm14, $0x3F800000, v0  }
0x1c2: {  	[tilespmem:s11+$0xFFFFFF60] =	vst v2  }
0x1c3: {  	v2 =	vld [tilespmem:$0x70];
	_ =	sdelay $0x4  }
0x1c4: {  	v2 =	vtrunc.f32 v2  }
0x1c5: {  	v2 =	vcvt.f32.s32 v2;
	_ =	sdelay $0x1  }
0x1c6: {  	vm15 =	veq.s32 v1, v2  }
0x1c7: {  	v2 =	vsel vm15, $0x3F800000, v0  }
0x1c8: {  	[tilespmem:s11+$0xFFFFFF70] =	vst v2  }
0x1c9: {  	v2 =	vld [tilespmem:$0x80];
	_ =	sdelay $0x4  }
0x1ca: {  	v2 =	vtrunc.f32 v2  }
0x1cb: {  	v2 =	vcvt.f32.s32 v2;
	_ =	sdelay $0x1  }
0x1cc: {  	vm4 =	veq.s32 v1, v2  }
0x1cd: {  	v2 =	vsel vm4, $0x3F800000, v0  }
0x1ce: {  	[tilespmem:s11+$0xFFFFFF80] =	vst v2  }
0x1cf: {  	v2 =	vld [tilespmem:$0x90];
	_ =	sdelay $0x4  }
0x1d0: {  	v2 =	vtrunc.f32 v2  }
0x1d1: {  	v2 =	vcvt.f32.s32 v2;
	_ =	sdelay $0x1  }
0x1d2: {  	vm5 =	veq.s32 v1, v2  }
0x1d3: {  	v2 =	vsel vm5, $0x3F800000, v0  }
0x1d4: {  	[tilespmem:s11+$0xFFFFFF90] =	vst v2  }
0x1d5: {  	v2 =	vld [tilespmem:$0xA0];
	_ =	sdelay $0x4  }
0x1d6: {  	v2 =	vtrunc.f32 v2  }
0x1d7: {  	v2 =	vcvt.f32.s32 v2;
	_ =	sdelay $0x1  }
0x1d8: {  	vm6 =	veq.s32 v1, v2  }
0x1d9: {  	v2 =	vsel vm6, $0x3F800000, v0  }
0x1da: {  	[tilespmem:s11+$0xFFFFFFA0] =	vst v2  }
0x1db: {  	v2 =	vld [tilespmem:$0xB0];
	_ =	sdelay $0x4  }
0x1dc: {  	v2 =	vtrunc.f32 v2  }
0x1dd: {  	v2 =	vcvt.f32.s32 v2;
	_ =	sdelay $0x1  }
0x1de: {  	vm7 =	veq.s32 v1, v2  }
0x1df: {  	v2 =	vsel vm7, $0x3F800000, v0  }
0x1e0: {  	[tilespmem:s11+$0xFFFFFFB0] =	vst v2  }
0x1e1: {  	v2 =	vld [tilespmem:$0xC0];
	_ =	sdelay $0x4  }
0x1e2: {  	v2 =	vtrunc.f32 v2  }
0x1e3: {  	v2 =	vcvt.f32.s32 v2;
	_ =	sdelay $0x1  }
0x1e4: {  	vm8 =	veq.s32 v1, v2  }
0x1e5: {  	v2 =	vsel vm8, $0x3F800000, v0  }
0x1e6: {  	[tilespmem:s11+$0xFFFFFFC0] =	vst v2  }
0x1e7: {  	v2 =	vld [tilespmem:$0xD0];
	_ =	sdelay $0x4  }
0x1e8: {  	v2 =	vtrunc.f32 v2  }
0x1e9: {  	v2 =	vcvt.f32.s32 v2;
	_ =	sdelay $0x1  }
0x1ea: {  	vm9 =	veq.s32 v1, v2  }
0x1eb: {  	v2 =	vsel vm9, $0x3F800000, v0  }
0x1ec: {  	[tilespmem:s11+$0xFFFFFFD0] =	vst v2  }
0x1ed: {  	v2 =	vld [tilespmem:$0xE0];
	_ =	sdelay $0x4  }
0x1ee: {  	v2 =	vtrunc.f32 v2  }
0x1ef: {  	v2 =	vcvt.f32.s32 v2;
	_ =	sdelay $0x1  }
0x1f0: {  	vm10 =	veq.s32 v1, v2  }
0x1f1: {  	v2 =	vsel vm10, $0x3F800000, v0  }
0x1f2: {  	[tilespmem:s11+$0xFFFFFFE0] =	vst v2  }
0x1f3: {  	v2 =	vld [tilespmem:$0xF0];
	_ =	sdelay $0x4  }
0x1f4: {  	v2 =	vtrunc.f32 v2  }
0x1f5: {  	v2 =	vcvt.f32.s32 v2;
	_ =	sdelay $0x1  }
0x1f6: {  	vm11 =	veq.s32 v1, v2  }
0x1f7: {  	v2 =	vsel vm11, $0x3F800000, v0  }
0x1f8: {  	[tilespmem:s11+$0xFFFFFFF0] =	vst v2  }
0x1f9: {  	v2 =	vld [tilespmem:$0x100];
	_ =	sdelay $0x4  }
0x1fa: {  	v2 =	vtrunc.f32 v2  }
0x1fb: {  	v2 =	vcvt.f32.s32 v2;
	_ =	sdelay $0x1  }
0x1fc: {  	vm12 =	veq.s32 v1, v2  }
0x1fd: {  	v2 =	vsel vm12, $0x3F800000, v0  }
0x1fe: {  	[tilespmem:s11+$0x0] =	vst v2  }
0x1ff: {  	v2 =	vld [tilespmem:$0x110];
	_ =	sdelay $0x4  }
0x200: {  	v2 =	vtrunc.f32 v2  }
0x201: {  	v2 =	vcvt.f32.s32 v2;
	_ =	sdelay $0x1  }
0x202: {  	vm13 =	veq.s32 v1, v2  }
0x203: {  	v2 =	vsel vm13, $0x3F800000, v0  }
0x204: {  	[tilespmem:s11+$0x10] =	vst v2  }
0x205: {  	v2 =	vld [tilespmem:$0x120];
	_ =	sdelay $0x4  }
0x206: {  	v2 =	vtrunc.f32 v2  }
0x207: {  	v2 =	vcvt.f32.s32 v2;
	_ =	sdelay $0x1  }
0x208: {  	vm14 =	veq.s32 v1, v2  }
0x209: {  	v2 =	vsel vm14, $0x3F800000, v0  }
0x20a: {  	[tilespmem:s11+$0x20] =	vst v2  }
0x20b: {  	v2 =	vld [tilespmem:$0x130];
	_ =	sdelay $0x4  }
0x20c: {  	v2 =	vtrunc.f32 v2  }
0x20d: {  	v2 =	vcvt.f32.s32 v2;
	_ =	sdelay $0x1  }
0x20e: {  	vm15 =	veq.s32 v1, v2  }
0x20f: {  	v2 =	vsel vm15, $0x3F800000, v0  }
0x210: {  	[tilespmem:s11+$0x30] =	vst v2  }
0x211: {  	v2 =	vld [tilespmem:$0x140];
	_ =	sdelay $0x4  }
0x212: {  	v2 =	vtrunc.f32 v2  }
0x213: {  	v2 =	vcvt.f32.s32 v2;
	_ =	sdelay $0x1  }
0x214: {  	vm4 =	veq.s32 v1, v2  }
0x215: {  	v2 =	vsel vm4, $0x3F800000, v0  }
0x216: {  	[tilespmem:s11+$0x40] =	vst v2  }
0x217: {  	v2 =	vld [tilespmem:$0x150];
	_ =	sdelay $0x4  }
0x218: {  	v2 =	vtrunc.f32 v2  }
0x219: {  	v2 =	vcvt.f32.s32 v2;
	_ =	sdelay $0x1  }
0x21a: {  	vm5 =	veq.s32 v1, v2  }
0x21b: {  	v2 =	vsel vm5, $0x3F800000, v0  }
0x21c: {  	[tilespmem:s11+$0x50] =	vst v2  }
0x21d: {  	v2 =	vld [tilespmem:$0x160];
	_ =	sdelay $0x4  }
0x21e: {  	v2 =	vtrunc.f32 v2  }
0x21f: {  	v2 =	vcvt.f32.s32 v2;
	_ =	sdelay $0x1  }
0x220: {  	vm6 =	veq.s32 v1, v2  }
0x221: {  	v2 =	vsel vm6, $0x3F800000, v0  }
0x222: {  	[tilespmem:s11+$0x60] =	vst v2  }
0x223: {  	v2 =	vld [tilespmem:$0x170];
	_ =	sdelay $0x4  }
0x224: {  	v2 =	vtrunc.f32 v2  }
0x225: {  	v2 =	vcvt.f32.s32 v2;
	_ =	sdelay $0x1  }
0x226: {  	vm7 =	veq.s32 v1, v2  }
0x227: {  	v2 =	vsel vm7, $0x3F800000, v0  }
0x228: {  	[tilespmem:s11+$0x70] =	vst v2  }
0x229: {  	v2 =	vld [tilespmem:$0x180];
	_ =	sdelay $0x4  }
0x22a: {  	v2 =	vtrunc.f32 v2  }
0x22b: {  	v2 =	vcvt.f32.s32 v2;
	_ =	sdelay $0x1  }
0x22c: {  	vm8 =	veq.s32 v1, v2  }
0x22d: {  	v2 =	vsel vm8, $0x3F800000, v0  }
0x22e: {  	[tilespmem:s11+$0x80] =	vst v2  }
0x22f: {  	v2 =	vld [tilespmem:$0x190];
	_ =	sdelay $0x4  }
0x230: {  	v2 =	vtrunc.f32 v2  }
0x231: {  	v2 =	vcvt.f32.s32 v2;
	_ =	sdelay $0x1  }
0x232: {  	vm9 =	veq.s32 v1, v2  }
0x233: {  	v2 =	vsel vm9, $0x3F800000, v0  }
0x234: {  	[tilespmem:s11+$0x90] =	vst v2  }
0x235: {  	v2 =	vld [tilespmem:$0x1A0];
	_ =	sdelay $0x4  }
0x236: {  	v2 =	vtrunc.f32 v2  }
0x237: {  	v2 =	vcvt.f32.s32 v2;
	_ =	sdelay $0x1  }
0x238: {  	vm10 =	veq.s32 v1, v2  }
0x239: {  	v2 =	vsel vm10, $0x3F800000, v0  }
0x23a: {  	[tilespmem:s11+$0xA0] =	vst v2  }
0x23b: {  	v2 =	vld [tilespmem:$0x1B0];
	_ =	sdelay $0x4  }
0x23c: {  	v2 =	vtrunc.f32 v2  }
0x23d: {  	v2 =	vcvt.f32.s32 v2;
	_ =	sdelay $0x1  }
0x23e: {  	vm11 =	veq.s32 v1, v2  }
0x23f: {  	v2 =	vsel vm11, $0x3F800000, v0  }
0x240: {  	[tilespmem:s11+$0xB0] =	vst v2  }
0x241: {  	v2 =	vld [tilespmem:$0x1C0];
	_ =	sdelay $0x4  }
0x242: {  	v2 =	vtrunc.f32 v2  }
0x243: {  	v2 =	vcvt.f32.s32 v2;
	_ =	sdelay $0x1  }
0x244: {  	vm12 =	veq.s32 v1, v2  }
0x245: {  	v2 =	vsel vm12, $0x3F800000, v0  }
0x246: {  	[tilespmem:s11+$0xC0] =	vst v2  }
0x247: {  	v2 =	vld [tilespmem:$0x1D0];
	_ =	sdelay $0x4  }
0x248: {  	v2 =	vtrunc.f32 v2  }
0x249: {  	v2 =	vcvt.f32.s32 v2;
	_ =	sdelay $0x1  }
0x24a: {  	vm13 =	veq.s32 v1, v2  }
0x24b: {  	v2 =	vsel vm13, $0x3F800000, v0  }
0x24c: {  	[tilespmem:s11+$0xD0] =	vst v2  }
0x24d: {  	v2 =	vld [tilespmem:$0x1E0];
	_ =	sdelay $0x4  }
0x24e: {  	v2 =	vtrunc.f32 v2  }
0x24f: {  	v2 =	vcvt.f32.s32 v2;
	_ =	sdelay $0x1  }
0x250: {  	vm14 =	veq.s32 v1, v2  }
0x251: {  	v2 =	vsel vm14, $0x3F800000, v0  }
0x252: {  	[tilespmem:s11+$0xE0] =	vst v2  }
0x253: {  	v2 =	vld [tilespmem:$0x1F0];
	_ =	sdelay $0x4  }
0x254: {  	v2 =	vtrunc.f32 v2  }
0x255: {  	v2 =	vcvt.f32.s32 v2  }
0x256: {  	s30 =	sshll.u32 s10, $0x13  }
0x257: {  	s10 =	sadd.s32 $0x1, s10;
	s12 =	sor.u32 s4, s30;
	vm15 =	veq.s32 v1, v2  }
0x258: {  	p0 =	sne.s32 s10, $0xC8;
	s12 =	sshrl.u32 s12, $0x3;
	v1 =	vsel vm15, $0x3F800000, v0  }
.Ltmp1:
0x259: {  	s31 =	sadd.s32 s3, s12;
	[tilespmem:s11+$0xF0] =	vst v1;
	(pc) =	sbr.rel @p0 .LBB2_2-.Ltmp1, $4  }
0x25a: {  	[hbm4b:s31+s9] =	stream.strided.scatter [tilespmem:s9], [sflag:$0x1], $0x4000, s8, s9, $0x38;
	[tilespmem:$0x4200] =	vst v63  }
0x25b: {  	_ =	swait.ge [sflag:s7], $0x4000  }
0x25c: {  	[sflag:s7] =	ssyncset.done $0x0  }
0x25d: {  	[sflag:s7] =	ssyncadd.s32 $0xFFFFC000  }
0x25e: {  	s1 =	sadd.s32 $0x1, s1  }
0x25f: {  	p0 =	sne.s32 s1, s6  }
.Ltmp2:
0x260: {  	_ = 	snop;
	(pc) =	sbr.rel @p0 .LBB2_1-.Ltmp2, $1  }
0x261: {  	_ =	sdelay $0x3  }
0x262: {  	_ =	sfence.sel $0x180000  }
0x263: {  	[bflag:$0x0] =	sbarrier.arrive $0xFFFF  }
0x264: {  	p0 =	sne.s32 s2, $0x0;
	_ =	strace $0x9000004A  }
0x265: {  	s0 =	sadd.s32 @!p0 $0x100000, s0;
	[bflag:$0x2] =	sbarrier.arrive $0xFFFF  }
0x266: {  	[sflag:s0] =	ssyncadd.tile.s32 @!p0 $0x1;
	_ =	shalt  }
.Lfunc_end2:
_tile_overlayer_lowered:
.L_overlay_start_2:
0x267: {  	(tag) =	ssettag $0x2  }
0x268: {  	s0 =	rddreg [dreg:$0x0];
	s2 =	stileid.u32  }
0x269: {  	s1 =	rddreg [dreg:$0x1];
	p0 =	sne.s32 s2, $0x0  }
0x26a: {  	s3 =	rddreg [dreg:$0x2];
	[bflag:$0x3] =	sbarrier.arrive $0xFFFF;
	s2 =	simm.s32 @!p0 $0x1C01  }
0x26b: {  	[timem:s3], [sflag:s2] =	dma.local @!p0 [hbm:s0], s1  }
0x26c: {  	s0 =	simm.s32 @!p0 $0x1  }
0x26d: {  	_ =	swait.ge @!p0 [sflag:s0], s1  }
0x26e: {  	s1 =	ssub.s32 @!p0 $0x0, s1;
	[sflag:s0] =	ssyncset.done @!p0 $0x0  }
0x26f: {  	[sflag:s0] =	ssyncadd.s32 @!p0 s1  }
0x270: {  	[bflag:$0x3] =	sbarrier.arrive $0xFFFF  }
0x271: {  	_ =	shalt  }

// kernel: sparse-core-data-format-call.cloned.1.call-start
scs
called_computation_lowered:
.L_overlay_start_0:
0x0: {  	s2 =	sld [smem:$0x3FD9]  }
0x1: {  	s3 =	sld [smem:$0x3FFE];
	_ =	sdelay $0x1  }
0x2: {  	s1 =	srdreg.scid  }
0x3: {  	s0 =	sand.u32 $0x1, s1  }
0x4: {  	s19 =	sshll.u32 s0, $0xA;
	s2 =	sadd.s32 s3, s2  }
0x5: {  	s2 =	sadd.s32 s2, s19  }
0x6: {  	[smem:$0x3FC7] =	sst s2  }
0x7: {  	_ = 	snop  }
0x8: {  	s2 =	sld [smem:$0x3FC9]  }
0x9: {  	s20 =	sld [smem:$0x3FD0];
	(tm) =	ssettm $0x1  }
0xa: {  	s4 =	sld [smem:$0x3FFB];
	_ =	sdelay $0x3  }
0xb: {  	_ =	strace s4  }
0xc: {  	s4 =	sld [smem:$0x3FFC];
	_ =	sdelay $0x3  }
0xd: {  	_ =	strace s4  }
0xe: {  	s4 =	sld [smem:$0x3FFD];
	_ =	sdelay $0x3  }
0xf: {  	_ =	strace s4  }
0x10: {  	_ =	strace $0x8FFFFFFF  }
0x11: {  	s21 =	sld [smem:$0x3FDB];
	_ =	sdelay $0x1  }
0x12: {  	s5 =	simm.s32 $_scs_section_size  }
0x13: {  	s6 =	simm.s32 $_size__tile_overlayer_lowered;
	s7 =	simm.s32 $_tile_overlayer_lowered  }
0x14: {  	s24 =	simm.s32 $0x1BFF;
	s23 =	sshll.u32 s7, $0x1;
	s4 =	sadd.s32 s5, s21  }
0x15: {  	s8 =	simm.s32 $0x0;
	s22 =	sshll.u32 s6, $0x1;
	s6 =	sadd.s32 s23, s4  }
0x16: {  	[timem:s8], [sflag:s24] =	dma.local [hbm:s6], s22  }
0x17: {  	_ =	swait.ge [sflag:s24], s22  }
0x18: {  	s5 =	ssub.s32 $0x0, s22;
	[sflag:s24] =	ssyncset.done $0x0  }
0x19: {  	[sflag:s24] =	ssyncadd.s32 s5;
	_ =	sdelay $0x1  }
0x1a: {  	s25 =	simm.s32 $0x1B8B  }
0x1b: {  	_ =	swait.ge [sflag:s25], $0x1  }
0x1c: {  	[sflag:s25] =	ssyncset.done $0x0  }
0x1d: {  	s26 =	simm.s32 $0x1B8E;
	[sflag:s25] =	ssyncadd.s32 $0xFFFFFFFF  }
0x1e: {  	s27 =	simm.s32 $execute0_lowered;
	[smem:$0x3FD2] =	sst s26  }
0x1f: {  	s5 =	sshll.u32 s27, $0x1;
	_ =	strace $0x80000046;
	[dreg:$0x1] =	wrdreg $0xFFFFFFFF  }
0x20: {  	s28 =	simm.s32 $_size_execute0_lowered;
	s4 =	sadd.s32 s4, s5;
	[dreg:$0x0] =	wrdreg $0x0  }
0x21: {  	s5 =	sshll.u32 s28, $0x1;
	[dreg:$0x2] =	wrdreg s4  }
0x22: {  	[dreg:$0x3] =	wrdreg s5  }
0x23: {  	[dreg:$0x4] =	wrdreg $0xC0  }
0x24: {  	_ =	task [dreg:s8], $0x5FFFF  }
0x25: {  	[dreg:$0x1] =	wrdreg $0xFFFFFFFF  }
0x26: {  	[dreg:$0x0] =	wrdreg $0x60  }
0x27: {  	[dreg:$0x2] =	wrdreg s2  }
0x28: {  	[dreg:$0x3] =	wrdreg s20  }
0x29: {  	[dreg:$0x4] =	wrdreg $0x9  }
0x2a: {  	_ =	task.clear_ibuf [dreg:s8], $0x5FFFF;
	_ =	strace $0x90000046  }
0x2b: {  	s29 =	simm.s32 $0x9;
	_ =	strace $0x80000048  }
0x2c: {  	_ =	swait.ge [sflag:s29], $0x1  }
0x2d: {  	[sflag:s29] =	ssyncadd.s32 $0xFFFFFFFF  }
0x2e: {  	_ =	strace $0x90000048  }
0x2f: {  	_ =	sfence  }
0x30: {  	s30 =	sld [smem:$0x0];
	_ =	sdelay $0x2  }
0x31: {  	s31 =	sshll.u32 s1, $0xD;
	s1 =	sshrl.u32 s1, $0x2  }
0x32: {  	s3 =	sand.u32 $0x4000, s31;
	s1 =	sadd.s32 s1, s30  }
0x33: {  	s0 =	sor.u32 s3, s0;
	s1 =	sshll.u32 s1, $0x11  }
0x34: {  	s0 =	sor.u32 s1, s0  }
0x35: {  	s0 =	sadd.s32 $0x8F2B, s0  }
0x36: {  	[sflag:s0] =	ssyncadd.remote.s32 $0x1  }
0x37: {  	_ =	sfence.sel $0xFFFF  }
0x38: {  	[dreg:$0x0] =	wrdreg $0xFFFFFFFF;
	(pc) =	sbr.abs _section_cstart, $3  }
0x39: {  	[dreg:$0x1] =	wrdreg $0xFFFFFFFF  }
0x3a: {  	_ =	task.clear_ibuf [dreg:s8], $0x2FFFF;
	_ =	strace $0x9FFFFFFF  }
0x3b: {  	(tm) =	ssettm $0x7FFFFFFF  }
tec
execute0_lowered:
.L_overlay_start_1:
0x0: {  	(tag) =	ssettag $0x1  }
0x1: {  	s0 =	stileid.u32;
	s1 =	srdreg.scid  }
0x2: {  	s7 =	rddreg [dreg:$0x0];
	s2 =	sshll.u32 s0, $0x2;
	s1 =	sshll.u32 s1, $0x6  }
0x3: {  	s3 =	rddreg [dreg:$0x1];
	s1 =	sor.u32 s2, s1  }
0x4: {  	s5 =	simm.s32 $0x1;
	s8 =	simm.s32 $0x2;
	s2 =	sand.u32 $0x70, s1  }
0x5: {  	s14 =	simm.s32 $0x0;
	s10 =	simm.s32 $0x4000;
	s4 =	ssub.s32 $0x80, s2  }
0x6: {  	s11 =	simm.s32 $0x0;
	s15 =	simm.s32 $0x0;
	s31 =	sand.u32 $0x70, s4  }
0x7: {  	s13 =	simm.s32 $0x0;
	s1 =	rddreg [dreg:$0x2];
	p0 =	sne.s32 s31, $0x0  }
.Ltmp0:
0x8: {  	s4 =	sshrl.u32 s4, $0x7;
	s5 =	simm.s32 @!p0 $0x0;
	(pc) =	sbr.rel .LBB1_1-.Ltmp0, $4  }
0x9: {  	_ =	strace $0x80000047;
	s9 =	sshll.u32 s2, $0x7;
	s6 =	sadd.s32 s5, s4  }
0xa: {  	s7 =	sadd.s32 s7, s9;
	s5 =	simm.s32 $0x1;
	s6 =	smul.u32 $0x32, s6  }
0xb: {  	s9 =	simm.s32 $0x800;
	s4 =	sand.u32 $0x3, s0;
	[sflag:s5] =	ssyncpa.u1 $0x0  }
0xc: {  	s12 =	smov.u32 s4;
	[sflag:s8] =	ssyncpa.u1 $0x0;
	s8 =	sor.u32 $0x1, s6  }
.LBB1_7:
0xd: {  	s16 =	sadd.s32 $0x4, s12  }
0xe: {  	p1 =	sgt.s32 s16, $0xC7  }
0xf: {  	s16 =	smov.u32 @p1 s4;
	p1 =	sne.s32 s13, s8  }
.Ltmp1:
0x10: {  	p0 =	slt.u32 s13, $0x2;
	(pc) =	sbr.rel @!p1 .LBB1_8-.Ltmp1, $4  }
0x11: {  	s14 =	simm.s32 @!p0 $0x2  }
0x12: {  	s17 =	sadd.s32 $0x1, s13;
	s15 =	smov.u32 s12;
	_ =	swait.ge @!p0 [sflag:s14], $0x4000  }
0x13: {  	s11 =	sadd.s32 $0x4000, s11;
	s13 =	smov.u32 s17;
	[sflag:s14] =	ssyncset.done @!p0 $0x0  }
0x14: {  	s12 =	smov.u32 s16;
	[sflag:s14] =	ssyncadd.s32 @!p0 $0xFFFFC000;
	s14 =	smov.u32 s2  }
.LBB1_1:
0x15: {  	p0 =	sge.u32 s13, s6  }
0x16: {  	s16 =	sxor.u32 @!p0 $0xFFFFFFFF, s13  }
0x17: {  	s31 =	sadd.s32 $0xFFFFFFFF, s13;
	s17 =	sshll.u32 @!p0 s12, $0xE;
	s16 =	sshll.u32 @!p0 s16, $0xE  }
0x18: {  	s18 =	simm.s32 @!p0 $0x0;
	s17 =	sadd.s32 @!p0 s17, s7;
	s16 =	sand.u32 @!p0 $0x4000, s16  }
0x19: {  	[tilespmem:s16], [sflag:$0x1] =	stream.linear.gather @!p0 [hbm4b:s17+s18], $0x4000, $0x38;
	[tilespmem:$0x10000] =	vst v63  }
0x1a: {  	p0 =	sge.u32 s31, s6  }
.Ltmp2:
0x1b: {  	_ = 	snop;
	(pc) =	sbr.rel @p0 .LBB1_7-.Ltmp2, $1  }
0x1c: {  	_ =	sdelay $0x3  }
0x1d: {  	s17 =	sand.u32 $0x4000, s11  }
0x1e: {  	_ =	swait.ge [sflag:s5], $0x4000;
	s19 =	sshll.u32 s13, $0xE;
	s16 =	sor.u32 $0x8040, s17  }
0x1f: {  	s18 =	sor.u32 $0x40, s17;
	[sflag:s5] =	ssyncset.done $0x0;
	s31 =	sand.u32 $0x4000, s19  }
0x20: {  	s19 =	simm.s32 $0x0;
	[sflag:s5] =	ssyncadd.s32 $0xFFFFC000;
	s17 =	sor.u32 $0x8000, s31  }
.LBB1_3:
0x21: {  	v0 =	vmov s18;
	_ =	sdelay $0x3  }
0x22: {  	s21 =	simm.s32 $0x0  }
0x23: {  	v6 =	vld.idx.msk [tilespmem:v0+s21+$0x30 ss:$0x1], $0xffff  }
0x24: {  	v7 =	vld.idx.msk [tilespmem:v0+s21+$0xFFFFFFC0 ss:$0x1], $0xffff  }
0x25: {  	v5 =	vld.idx.msk [tilespmem:v0+s21+$0xFFFFFFD0 ss:$0x1], $0xffff  }
0x26: {  	v4 =	vld.idx.msk [tilespmem:v0+s21+$0xFFFFFFE0 ss:$0x1], $0xffff  }
0x27: {  	v3 =	vld.idx.msk [tilespmem:v0+s21+$0xFFFFFFF0 ss:$0x1], $0xffff  }
0x28: {  	v1 =	vld.idx.msk [tilespmem:v0+s21+$0x0 ss:$0x1], $0xffff  }
0x29: {  	v2 =	vld.idx.msk [tilespmem:v0+s21+$0x10 ss:$0x1], $0xffff;
	[tilespmem:s16+$0x30] =	vst v6  }
0x2a: {  	s20 =	simm.s32 $0x80;
	s22 =	simm.s32 $0x400;
	[tilespmem:s16+$0xFFFFFFC0] =	vst v7;
	v6 =	vld.idx.msk [tilespmem:v0+s21+$0x20 ss:$0x1], $0xffff;
	s21 =	smov.u32 s16  }
.LBB1_4:
0x2b: {  	p0 =	sne.s32 s22, $0xE00;
	v7 =	vld.idx.msk [tilespmem:v0+s20+$0x30 ss:$0x1], $0xffff;
	[tilespmem:s21+$0xFFFFFFD0] =	vst v5  }
0x2c: {  	v8 =	vld.idx.msk [tilespmem:v0+s20+$0xFFFFFFC0 ss:$0x1], $0xffff;
	[tilespmem:s21+$0xFFFFFFE0] =	vst v4  }
0x2d: {  	v5 =	vld.idx.msk [tilespmem:v0+s20+$0xFFFFFFD0 ss:$0x1], $0xffff;
	[tilespmem:s21+$0xFFFFFFF0] =	vst v3  }
.Ltmp3:
0x2e: {  	v4 =	vld.idx.msk [tilespmem:v0+s20+$0xFFFFFFE0 ss:$0x1], $0xffff;
	[tilespmem:s21+$0x0] =	vst v1;
	(pc) =	sbr.rel @p0 .LBB1_4-.Ltmp3, $4  }
0x2f: {  	v3 =	vld.idx.msk [tilespmem:v0+s20+$0xFFFFFFF0 ss:$0x1], $0xffff;
	[tilespmem:s21+$0x10] =	vst v2  }
0x30: {  	v1 =	vld.idx.msk [tilespmem:v0+s20+$0x0 ss:$0x1], $0xffff;
	[tilespmem:s21+$0x20] =	vst v6;
	s21 =	sadd.s32 $0x800, s21  }
0x31: {  	v2 =	vld.idx.msk [tilespmem:v0+s20+$0x10 ss:$0x1], $0xffff;
	[tilespmem:s21+$0x30] =	vst v7  }
0x32: {  	[tilespmem:s21+$0xFFFFFFC0] =	vst v8;
	v6 =	vld.idx.msk [tilespmem:v0+s20+$0x20 ss:$0x1], $0xffff;
	s20 =	sshra.s32 s22, $0x2;
	s22 =	sadd.s32 $0x200, s22  }
0x33: {  	_ =	sdelay $0x2  }
0x34: {  	[tilespmem:s21+$0xFFFFFFD0] =	vst v5  }
0x35: {  	v56 =	vld.idx.msk [tilespmem:v0+s20+$0x30 ss:$0x1], $0xffff;
	[tilespmem:s21+$0xFFFFFFE0] =	vst v4  }
0x36: {  	v57 =	vld.idx.msk [tilespmem:v0+s20+$0xFFFFFFC0 ss:$0x1], $0xffff;
	[tilespmem:s21+$0xFFFFFFF0] =	vst v3  }
0x37: {  	v58 =	vld.idx.msk [tilespmem:v0+s20+$0xFFFFFFD0 ss:$0x1], $0xffff;
	[tilespmem:s21+$0x0] =	vst v1  }
0x38: {  	v59 =	vld.idx.msk [tilespmem:v0+s20+$0xFFFFFFE0 ss:$0x1], $0xffff;
	[tilespmem:s21+$0x10] =	vst v2  }
0x39: {  	v60 =	vld.idx.msk [tilespmem:v0+s20+$0xFFFFFFF0 ss:$0x1], $0xffff;
	s31 =	sadd.s32 $0x800, s21;
	[tilespmem:s21+$0x20] =	vst v6  }
0x3a: {  	v61 =	vld.idx.msk [tilespmem:v0+s20+$0x0 ss:$0x1], $0xffff;
	[tilespmem:s31+$0x30] =	vst v56  }
0x3b: {  	v62 =	vld.idx.msk [tilespmem:v0+s20+$0x10 ss:$0x1], $0xffff;
	s19 =	sadd.s32 $0x1, s19;
	[tilespmem:s31+$0xFFFFFFC0] =	vst v57  }
0x3c: {  	v63 =	vld.idx.msk [tilespmem:v0+s20+$0x20 ss:$0x1], $0xffff;
	p0 =	sne.s32 s19, $0x10;
	[tilespmem:s31+$0xFFFFFFD0] =	vst v58  }
.Ltmp4:
0x3d: {  	[tilespmem:s31+$0xFFFFFFE0] =	vst v59;
	(pc) =	sbr.rel @p0 .LBB1_3-.Ltmp4, $4  }
0x3e: {  	[tilespmem:s31+$0xFFFFFFF0] =	vst v60  }
0x3f: {  	[tilespmem:s31+$0x0] =	vst v61  }
0x40: {  	[tilespmem:s31+$0x10] =	vst v62  }
0x41: {  	s16 =	sadd.s32 $0x80, s16;
	s18 =	sadd.s32 $0x400, s18;
	[tilespmem:s31+$0x20] =	vst v63  }
.Ltmp5:
0x42: {  	(pc) =	sbr.rel .LBB1_7-.Ltmp5, $4  }
0x43: {  	s15 =	sshll.u32 s15, $0xE  }
0x44: {  	s14 =	sshll.u32 s14, $0x4;
	s15 =	sadd.s32 s3, s15  }
0x45: {  	s14 =	sadd.s32 s14, s15  }
0x46: {  	[hbm4b:s14+s9] =	stream.strided.scatter [tilespmem:s17], [sflag:$0x2], $0x4000, s10, s9, $0x38;
	[tilespmem:$0x10000] =	vst v63  }
.LBB1_8:
0x47: {  	_ =	sfence.sel $0x180000  }
0x48: {  	s2 =	simm.s32 $0x1;
	[bflag:$0x0] =	sbarrier.arrive $0xFFFF  }
0x49: {  	s31 =	simm.s32 $0x2;
	[sflag:s2] =	ssyncpa.u1 $0x1  }
0x4a: {  	[sflag:s31] =	ssyncpa.u1 $0x1  }
0x4b: {  	p0 =	sne.s32 s0, $0x0;
	_ =	strace $0x90000047  }
0x4c: {  	s0 =	sadd.s32 @!p0 $0x100000, s1;
	[bflag:$0x2] =	sbarrier.arrive $0xFFFF  }
0x4d: {  	[sflag:s0] =	ssyncadd.tile.s32 @!p0 $0x1;
	_ =	shalt  }
.Lfunc_end1:
_tile_overlayer_lowered:
.L_overlay_start_2:
0x4e: {  	(tag) =	ssettag $0x2  }
0x4f: {  	s0 =	rddreg [dreg:$0x0];
	s2 =	stileid.u32  }
0x50: {  	s1 =	rddreg [dreg:$0x1];
	p0 =	sne.s32 s2, $0x0  }
0x51: {  	s3 =	rddreg [dreg:$0x2];
	[bflag:$0x3] =	sbarrier.arrive $0xFFFF;
	s2 =	simm.s32 @!p0 $0x1C01  }
0x52: {  	[timem:s3], [sflag:s2] =	dma.local @!p0 [hbm:s0], s1  }
0x53: {  	s0 =	simm.s32 @!p0 $0x1  }
0x54: {  	_ =	swait.ge @!p0 [sflag:s0], s1  }
0x55: {  	s1 =	ssub.s32 @!p0 $0x0, s1;
	[sflag:s0] =	ssyncset.done @!p0 $0x0  }
0x56: {  	[sflag:s0] =	ssyncadd.s32 @!p0 s1  }
0x57: {  	[bflag:$0x3] =	sbarrier.arrive $0xFFFF  }
0x58: {  	_ =	shalt  }

</sc_bundles>
